<compile_context>
chip_gen: v7x
topology: tpu7x:2x2x1
jax: 0.10.2.dev20260603
libtpu: 0.0.44.dev20260713+nightly
codegen_flags: <defaults>
</compile_context>

<pallas_src>
import functools

import jax
import jax.numpy as jnp
from jax import lax
from jax.experimental import pallas as pl
from jax.experimental.pallas import tpu as pltpu
from jax.experimental.pallas import tpu_sc as plsc

TB = 128
SC_NC = 2
SC_NS = 16


def _router_body(h_ref, rw_ref, pwt_ref, bexp_ref, pos_ref, wc_ref,
                 *, T, E, TB_, NBMAX):
    f32 = jnp.float32
    bf16 = jnp.bfloat16
    h = h_ref[...]
    rw = rw_ref[...]
    logits = jax.lax.dot_general(h.astype(bf16), rw.astype(bf16),
                                 (((1,), (1,)), ((), ())),
                                 preferred_element_type=f32)
    lane = jax.lax.broadcasted_iota(jnp.int32, (T, E), 1).astype(f32)
    m1 = jnp.max(logits, axis=1, keepdims=True)
    i1 = jnp.min(jnp.where(logits == m1, lane, float(E)), axis=1, keepdims=True)
    e0 = (lane == i1).astype(f32)
    neg = jnp.where(lane == i1, -jnp.inf, logits)
    m2 = jnp.max(neg, axis=1, keepdims=True)
    i2 = jnp.min(jnp.where(neg == m2, lane, float(E)), axis=1, keepdims=True)
    e1 = (lane == i2).astype(f32)
    w0 = 1.0 / (1.0 + jnp.exp(m2 - m1))
    w1 = 1.0 - w0

    ones_col = jnp.ones((T, 1), f32)
    ecnt = jax.lax.dot_general(e0 + e1, ones_col, (((0,), (0,)), ((), ())),
                               preferred_element_type=f32)
    nblk = jnp.floor((ecnt + (TB_ - 1)) / TB_)
    tri = (jax.lax.broadcasted_iota(jnp.int32, (E, E), 1)
           < jax.lax.broadcasted_iota(jnp.int32, (E, E), 0)).astype(f32)
    excl = jax.lax.dot_general(tri, nblk, (((1,), (0,)), ((), ())),
                               preferred_element_type=f32)
    incl = excl + nblk

    Epairs = e0 + e1
    RB = 256
    c_blocks = []
    for tb in range(T // RB):
        r = jax.lax.broadcasted_iota(jnp.int32, (RB, T), 0) + tb * RB
        c = jax.lax.broadcasted_iota(jnp.int32, (RB, T), 1)
        lt = (c < r).astype(f32)
        c_blocks.append(jax.lax.dot_general(lt, Epairs, (((1,), (0,)), ((), ())),
                                            preferred_element_type=f32))
    C = jnp.concatenate(c_blocks, axis=0)

    blk0 = jax.lax.dot_general(e0, excl, (((1,), (0,)), ((), ())),
                               preferred_element_type=f32)
    blk1 = jax.lax.dot_general(e1, excl, (((1,), (0,)), ((), ())),
                               preferred_element_type=f32)
    rank0 = jnp.sum(C * e0, axis=1, keepdims=True)
    rank1 = jnp.sum(C * e1, axis=1, keepdims=True)
    pos0 = blk0 * TB_ + rank0
    pos1 = blk1 * TB_ + rank1

    pos_ref[...] = jnp.concatenate([pos0, pos1], axis=1).astype(jnp.int32)

    cols = jnp.concatenate([pos0, pos1, w0, w1, w0, w0, w0, w0], axis=1)
    wc_ref[...] = cols
    ident = (jax.lax.broadcasted_iota(jnp.int32, (T, T), 0)
             == jax.lax.broadcasted_iota(jnp.int32, (T, T), 1)).astype(f32)
    pwt_ref[...] = jax.lax.dot_general(cols, ident, (((0,), (0,)), ((), ())),
                                       preferred_element_type=f32,
                                       precision=jax.lax.Precision.HIGHEST)

    bidx = jax.lax.broadcasted_iota(jnp.int32, (E, NBMAX), 1).astype(f32)
    bexp = jnp.sum((incl <= bidx).astype(f32), axis=0, keepdims=True)
    bexp = jnp.minimum(bexp, float(E - 1))
    nused = jnp.sum(nblk)
    nrow = jnp.full((1, NBMAX), nused, f32)
    bexp_ref[...] = jnp.concatenate(
        [bexp, nrow, bexp, bexp, bexp, bexp, bexp, bexp], axis=0
    ).astype(jnp.int32)


def _ffn_body(bexp_sref, num_sref, pwt_ref, h_ref, gu_ref, dn_ref, ys_ref,
              *, T, F, TB_):
    f32 = jnp.float32
    bf16 = jnp.bfloat16
    b = pl.program_id(0)

    @pl.when(b < num_sref[0])
    def _compute():
        pwt = pwt_ref[...]
        p0 = pwt[0:1, :]
        p1 = pwt[1:2, :]
        slot = (jax.lax.broadcasted_iota(jnp.int32, (TB_, T), 0)
                + b * TB_).astype(f32)
        Mg = (slot == p0).astype(bf16) + (slot == p1).astype(bf16)
        x = jax.lax.dot_general(Mg, h_ref[...].astype(bf16),
                                (((1,), (0,)), ((), ())),
                                preferred_element_type=f32)
        xb = x.astype(bf16)
        gu = gu_ref[0].astype(bf16)
        gate = jax.lax.dot_general(xb, gu[0:F], (((1,), (1,)), ((), ())),
                                   preferred_element_type=f32)
        up = jax.lax.dot_general(xb, gu[F:2 * F], (((1,), (1,)), ((), ())),
                                 preferred_element_type=f32)
        act = gate * (1.0 / (1.0 + jnp.exp(-gate))) * up
        ys_ref[...] = jax.lax.dot_general(act.astype(bf16),
                                          dn_ref[0].astype(bf16),
                                          (((1,), (1,)), ((), ())),
                                          preferred_element_type=f32)

def _make_combine_gather(NPAD, T, H):
    NW = SC_NC * SC_NS
    CH = T // NW
    mesh = plsc.VectorSubcoreMesh(core_axis_name="c", subcore_axis_name="s")

    @functools.partial(
        pl.kernel, mesh=mesh,
        out_type=(
            jax.ShapeDtypeStruct((T, H), jnp.float32),
            jax.ShapeDtypeStruct((T, H), jnp.float32),
        ),
        scratch_types=[
            pltpu.VMEM((CH,), jnp.int32),
            pltpu.VMEM((CH, H), jnp.float32),
            pltpu.SemaphoreType.DMA,
        ],
    )
    def combine(ys_hbm, p0_hbm, p1_hbm, yg0_hbm, yg1_hbm, idx_v, rows_v, sem):
        wid = lax.axis_index("s") * SC_NC + lax.axis_index("c")
        base = wid * CH
        pltpu.sync_copy(p0_hbm.at[pl.ds(base, CH)], idx_v)
        pltpu.async_copy(ys_hbm.at[idx_v], rows_v, sem).wait()
        pltpu.sync_copy(rows_v, yg0_hbm.at[pl.ds(base, CH)])
        pltpu.sync_copy(p1_hbm.at[pl.ds(base, CH)], idx_v)
        pltpu.async_copy(ys_hbm.at[idx_v], rows_v, sem).wait()
        pltpu.sync_copy(rows_v, yg1_hbm.at[pl.ds(base, CH)])

    return combine


def _combine_body(yg0_ref, yg1_ref, wc_ref, out_ref):
    wc = wc_ref[...]
    out_ref[...] = wc[:, 2:3] * yg0_ref[...] + wc[:, 3:4] * yg1_ref[...]


def kernel(hidden_states, router_weight, gate_up_proj, down_proj):
    Bv, Tv, Hv = hidden_states.shape
    E, H = router_weight.shape
    F = down_proj.shape[2]
    T = Bv * Tv
    K = 2
    NBMAX = T * K // TB + E - 1
    NBMAX = ((NBMAX + 7) // 8) * 8
    NPAD = NBMAX * TB

    h2 = hidden_states.reshape(T, Hv)

    pwt, bexp8, pos2, wc = pl.pallas_call(
        functools.partial(_router_body, T=T, E=E, TB_=TB, NBMAX=NBMAX),
        out_shape=(
            jax.ShapeDtypeStruct((8, T), jnp.float32),
            jax.ShapeDtypeStruct((8, NBMAX), jnp.int32),
            jax.ShapeDtypeStruct((T, 2), jnp.int32),
            jax.ShapeDtypeStruct((T, 8), jnp.float32),
        ),
    )(h2, router_weight)

    bexp = bexp8[0]
    num = bexp8[1, 0:1]

    grid_spec = pltpu.PrefetchScalarGridSpec(
        num_scalar_prefetch=2,
        grid=(NBMAX,),
        in_specs=[
            pl.BlockSpec((8, T), lambda b, be, n: (0, 0)),
            pl.BlockSpec((T, Hv), lambda b, be, n: (0, 0)),
            pl.BlockSpec((1, 2 * F, H), lambda b, be, n: (be[b], 0, 0)),
            pl.BlockSpec((1, H, F), lambda b, be, n: (be[b], 0, 0)),
        ],
        out_specs=pl.BlockSpec(
            (TB, Hv), lambda b, be, n: (jnp.minimum(b, n[0] - 1), 0)),
    )
    ys = pl.pallas_call(
        functools.partial(_ffn_body, T=T, F=F, TB_=TB),
        grid_spec=grid_spec,
        out_shape=jax.ShapeDtypeStruct((NPAD, Hv), jnp.float32),
        compiler_params=pltpu.CompilerParams(
            dimension_semantics=("arbitrary",)),
    )(bexp, num, pwt, h2, gate_up_proj, down_proj)

    p0 = pos2[:, 0]
    p1 = pos2[:, 1]
    yg0, yg1 = _make_combine_gather(NPAD, T, Hv)(ys, p0, p1)

    out = pl.pallas_call(
        _combine_body,
        out_shape=jax.ShapeDtypeStruct((T, Hv), jnp.float32),
    )(yg0, yg1, wc)

    return out.reshape(Bv, Tv, Hv)

# --- scband reference (transcript-rebuilt; emitter-appended) ---
"""Pipeline reference for scband-fake-fused-mo-e-56014963474859 (READ-ONLY COPY).

The authoritative reference and input builder live on the scoring server;
editing this copy changes nothing except your own understanding.
"""

import jax, jax.numpy as jnp
import numpy as np

E = 64
TOPK = 2
H = 768
F = 512
B = 1
T = 2048


def setup_inputs(seed: int = 0) -> dict:
    key = jax.random.key(seed)
    k1, k2, k3, k4 = jax.random.split(key, 4)
    hidden_states = jax.random.normal(k1, (B, T, H), dtype=jnp.float32)
    router_weight = jax.random.normal(k2, (E, H), dtype=jnp.float32) * 0.02
    gate_up_proj = jax.random.normal(k3, (E, 2 * F, H), dtype=jnp.float32) * 0.02
    down_proj = jax.random.normal(k4, (E, H, F), dtype=jnp.float32) * 0.02
    return {
        "hidden_states": hidden_states,
        "router_weight": router_weight,
        "gate_up_proj": gate_up_proj,
        "down_proj": down_proj,
    }


def _silu(x):
    return x * jax.nn.sigmoid(x)


def reference(hidden_states, router_weight, gate_up_proj, down_proj):
    Bv, Tv, Hv = hidden_states.shape
    h = hidden_states.reshape(-1, Hv)
    # Router: logits -> softmax -> top-k -> renormalize
    logits = h @ router_weight.T
    probs = jax.nn.softmax(logits, axis=-1)
    top_v, top_i = jax.lax.top_k(probs, TOPK)
    top_v = top_v / jnp.sum(top_v, axis=-1, keepdims=True)
    # Combine weights per (token, expert): sum of top_k weights routed to each expert.
    # This is mathematically identical to the torch per-expert index_add_ loop.
    one_hot = jax.nn.one_hot(top_i, E, dtype=h.dtype)  # [Ttok, K, E]
    combine = jnp.sum(top_v[..., None] * one_hot, axis=1)  # [Ttok, E]
    # Experts (dense-masked equivalent of the gather/scatter loop):
    gu = jnp.einsum('th,efh->etf', h, gate_up_proj)  # [E, Ttok, 2F]
    gate, up = jnp.split(gu, 2, axis=-1)
    act = _silu(gate) * up  # [E, Ttok, F]
    out_e = jnp.einsum('etf,ehf->eth', act, down_proj)  # [E, Ttok, H]
    final = jnp.einsum('eth,te->th', out_e, combine)  # [Ttok, H]
    return final.reshape(Bv, Tv, Hv)

if __name__ == "__main__":
    import jax
    _d = setup_inputs()
    print(jax.jit(kernel)(*tuple(_d.values())))

</pallas_src>

<mosaic_0001>
#map = affine_map<(d0, d1) -> (0, 0)>
#map1 = affine_map<(d0, d1) -> (0)>
module attributes {stable_mosaic.version = 14 : i64} {
  func.func @combine(%arg0: i32, %arg1: i32, %arg2: memref<12288x768xf32, #tpu.memory_space<hbm>>, %arg3: memref<2048xi32, #tpu.memory_space<hbm>>, %arg4: memref<2048xi32, #tpu.memory_space<hbm>>, %arg5: memref<2048x768xf32, #tpu.memory_space<hbm>>, %arg6: memref<2048x768xf32, #tpu.memory_space<hbm>>, %arg7: memref<64xi32, #tpu.memory_space<vmem>>, %arg8: memref<64x768xf32, #tpu.memory_space<vmem>>, %arg9: memref<!tpu.dma_semaphore, #tpu.memory_space<semaphore_mem>>) attributes {dimension_semantics = [#tpu.dimension_semantics<core_parallel>, #tpu.dimension_semantics<subcore_parallel>], iteration_bounds = array<i64: 2, 16>, scalar_prefetch = 0 : i64, scratch_operands = 3 : i64, tpu.core_type = #tpu.core_type<sc_vector_subcore>, window_params = [{transform_indices = #map}, {transform_indices = #map1}, {transform_indices = #map1}, {transform_indices = #map}, {transform_indices = #map}]} {
    %mul3A = arith.constant 2 : i32
    %mul3A_0 = arith.muli %arg1, %mul3A : i32
    %add3A = arith.addi %mul3A_0, %arg0 : i32
    %mul3A_1 = arith.constant 64 : i32
    %mul3A_2 = arith.muli %add3A, %mul3A_1 : i32
    "tpu.region"() ({
      %run_scoped3A = tpu.sem_alloc : memref<!tpu.dma_semaphore, #tpu.memory_space<semaphore_mem>>
      %dma_start3A_13 = tpu.memref_slice %arg3[%mul3A_2] : memref<2048xi32, #tpu.memory_space<hbm>> -> memref<64xi32, #tpu.memory_space<hbm>>
      %dma_start3A_14 = tpu.memref_slice %arg3[%mul3A_2] : memref<2048xi32, #tpu.memory_space<hbm>> -> memref<64xi32, #tpu.memory_space<hbm>>
      tpu.enqueue_dma source(%dma_start3A_14 : memref<64xi32, #tpu.memory_space<hbm>>) target(%arg7 : memref<64xi32, #tpu.memory_space<vmem>>) target_semaphore(%run_scoped3A : memref<!tpu.dma_semaphore, #tpu.memory_space<semaphore_mem>>)
      %dma_wait3A_15 = tpu.memref_slice %arg3[%mul3A_2] : memref<2048xi32, #tpu.memory_space<hbm>> -> memref<64xi32, #tpu.memory_space<hbm>>
      %dma_wait3A_16 = tpu.memref_slice %arg3[%mul3A_2] : memref<2048xi32, #tpu.memory_space<hbm>> -> memref<64xi32, #tpu.memory_space<hbm>>
      tpu.wait_dma2 semaphore(%run_scoped3A : memref<!tpu.dma_semaphore, #tpu.memory_space<semaphore_mem>>) src(%dma_wait3A_16 : memref<64xi32, #tpu.memory_space<hbm>>) dst(%arg7 : memref<64xi32, #tpu.memory_space<vmem>>)
      tpu.yield
    }) : () -> ()
    %dma_start3A = arith.constant 0 : i32
    %dma_start3A_3 = arith.constant 0 : i32
    %dma_start3A_4 = tpu.memref_slice %arg2[%dma_start3A, %dma_start3A_3] : memref<12288x768xf32, #tpu.memory_space<hbm>> -> memref<12288x768xf32, #tpu.memory_space<hbm>>
    tpu.enqueue_indirect_dma source(%dma_start3A_4 : memref<12288x768xf32, #tpu.memory_space<hbm>>) target(%arg8 : memref<64x768xf32, #tpu.memory_space<vmem>>) offsets(%arg7 : memref<64xi32, #tpu.memory_space<vmem>>) semaphore(%arg9 : memref<!tpu.dma_semaphore, #tpu.memory_space<semaphore_mem>>)
    %dma_wait3A = arith.constant 0 : i32
    %dma_wait3A_5 = arith.constant 0 : i32
    %dma_wait3A_6 = tpu.memref_slice %arg2[%dma_wait3A, %dma_wait3A_5] : memref<12288x768xf32, #tpu.memory_space<hbm>> -> memref<12288x768xf32, #tpu.memory_space<hbm>>
    tpu.wait_indirect_dma semaphore(%arg9 : memref<!tpu.dma_semaphore, #tpu.memory_space<semaphore_mem>>) src(%dma_wait3A_6 : memref<12288x768xf32, #tpu.memory_space<hbm>>) dst(%arg8 : memref<64x768xf32, #tpu.memory_space<vmem>>)
    "tpu.region"() ({
      %run_scoped3A = tpu.sem_alloc : memref<!tpu.dma_semaphore, #tpu.memory_space<semaphore_mem>>
      %dma_start3A_13 = arith.constant 0 : i32
      %dma_start3A_14 = tpu.memref_slice %arg5[%mul3A_2, %dma_start3A_13] : memref<2048x768xf32, #tpu.memory_space<hbm>> -> memref<64x768xf32, #tpu.memory_space<hbm>>
      %dma_start3A_15 = arith.constant 0 : i32
      %dma_start3A_16 = tpu.memref_slice %arg5[%mul3A_2, %dma_start3A_15] : memref<2048x768xf32, #tpu.memory_space<hbm>> -> memref<64x768xf32, #tpu.memory_space<hbm>>
      tpu.enqueue_dma source(%arg8 : memref<64x768xf32, #tpu.memory_space<vmem>>) target(%dma_start3A_16 : memref<64x768xf32, #tpu.memory_space<hbm>>) target_semaphore(%run_scoped3A : memref<!tpu.dma_semaphore, #tpu.memory_space<semaphore_mem>>)
      %dma_wait3A_17 = arith.constant 0 : i32
      %dma_wait3A_18 = tpu.memref_slice %arg5[%mul3A_2, %dma_wait3A_17] : memref<2048x768xf32, #tpu.memory_space<hbm>> -> memref<64x768xf32, #tpu.memory_space<hbm>>
      %dma_wait3A_19 = arith.constant 0 : i32
      %dma_wait3A_20 = tpu.memref_slice %arg5[%mul3A_2, %dma_wait3A_19] : memref<2048x768xf32, #tpu.memory_space<hbm>> -> memref<64x768xf32, #tpu.memory_space<hbm>>
      tpu.wait_dma2 semaphore(%run_scoped3A : memref<!tpu.dma_semaphore, #tpu.memory_space<semaphore_mem>>) src(%arg8 : memref<64x768xf32, #tpu.memory_space<vmem>>) dst(%dma_wait3A_20 : memref<64x768xf32, #tpu.memory_space<hbm>>)
      tpu.yield
    }) : () -> ()
    "tpu.region"() ({
      %run_scoped3A = tpu.sem_alloc : memref<!tpu.dma_semaphore, #tpu.memory_space<semaphore_mem>>
      %dma_start3A_13 = tpu.memref_slice %arg4[%mul3A_2] : memref<2048xi32, #tpu.memory_space<hbm>> -> memref<64xi32, #tpu.memory_space<hbm>>
      %dma_start3A_14 = tpu.memref_slice %arg4[%mul3A_2] : memref<2048xi32, #tpu.memory_space<hbm>> -> memref<64xi32, #tpu.memory_space<hbm>>
      tpu.enqueue_dma source(%dma_start3A_14 : memref<64xi32, #tpu.memory_space<hbm>>) target(%arg7 : memref<64xi32, #tpu.memory_space<vmem>>) target_semaphore(%run_scoped3A : memref<!tpu.dma_semaphore, #tpu.memory_space<semaphore_mem>>)
      %dma_wait3A_15 = tpu.memref_slice %arg4[%mul3A_2] : memref<2048xi32, #tpu.memory_space<hbm>> -> memref<64xi32, #tpu.memory_space<hbm>>
      %dma_wait3A_16 = tpu.memref_slice %arg4[%mul3A_2] : memref<2048xi32, #tpu.memory_space<hbm>> -> memref<64xi32, #tpu.memory_space<hbm>>
      tpu.wait_dma2 semaphore(%run_scoped3A : memref<!tpu.dma_semaphore, #tpu.memory_space<semaphore_mem>>) src(%dma_wait3A_16 : memref<64xi32, #tpu.memory_space<hbm>>) dst(%arg7 : memref<64xi32, #tpu.memory_space<vmem>>)
      tpu.yield
    }) : () -> ()
    %dma_start3A_7 = arith.constant 0 : i32
    %dma_start3A_8 = arith.constant 0 : i32
    %dma_start3A_9 = tpu.memref_slice %arg2[%dma_start3A_7, %dma_start3A_8] : memref<12288x768xf32, #tpu.memory_space<hbm>> -> memref<12288x768xf32, #tpu.memory_space<hbm>>
    tpu.enqueue_indirect_dma source(%dma_start3A_9 : memref<12288x768xf32, #tpu.memory_space<hbm>>) target(%arg8 : memref<64x768xf32, #tpu.memory_space<vmem>>) offsets(%arg7 : memref<64xi32, #tpu.memory_space<vmem>>) semaphore(%arg9 : memref<!tpu.dma_semaphore, #tpu.memory_space<semaphore_mem>>)
    %dma_wait3A_10 = arith.constant 0 : i32
    %dma_wait3A_11 = arith.constant 0 : i32
    %dma_wait3A_12 = tpu.memref_slice %arg2[%dma_wait3A_10, %dma_wait3A_11] : memref<12288x768xf32, #tpu.memory_space<hbm>> -> memref<12288x768xf32, #tpu.memory_space<hbm>>
    tpu.wait_indirect_dma semaphore(%arg9 : memref<!tpu.dma_semaphore, #tpu.memory_space<semaphore_mem>>) src(%dma_wait3A_12 : memref<12288x768xf32, #tpu.memory_space<hbm>>) dst(%arg8 : memref<64x768xf32, #tpu.memory_space<vmem>>)
    "tpu.region"() ({
      %run_scoped3A = tpu.sem_alloc : memref<!tpu.dma_semaphore, #tpu.memory_space<semaphore_mem>>
      %dma_start3A_13 = arith.constant 0 : i32
      %dma_start3A_14 = tpu.memref_slice %arg6[%mul3A_2, %dma_start3A_13] : memref<2048x768xf32, #tpu.memory_space<hbm>> -> memref<64x768xf32, #tpu.memory_space<hbm>>
      %dma_start3A_15 = arith.constant 0 : i32
      %dma_start3A_16 = tpu.memref_slice %arg6[%mul3A_2, %dma_start3A_15] : memref<2048x768xf32, #tpu.memory_space<hbm>> -> memref<64x768xf32, #tpu.memory_space<hbm>>
      tpu.enqueue_dma source(%arg8 : memref<64x768xf32, #tpu.memory_space<vmem>>) target(%dma_start3A_16 : memref<64x768xf32, #tpu.memory_space<hbm>>) target_semaphore(%run_scoped3A : memref<!tpu.dma_semaphore, #tpu.memory_space<semaphore_mem>>)
      %dma_wait3A_17 = arith.constant 0 : i32
      %dma_wait3A_18 = tpu.memref_slice %arg6[%mul3A_2, %dma_wait3A_17] : memref<2048x768xf32, #tpu.memory_space<hbm>> -> memref<64x768xf32, #tpu.memory_space<hbm>>
      %dma_wait3A_19 = arith.constant 0 : i32
      %dma_wait3A_20 = tpu.memref_slice %arg6[%mul3A_2, %dma_wait3A_19] : memref<2048x768xf32, #tpu.memory_space<hbm>> -> memref<64x768xf32, #tpu.memory_space<hbm>>
      tpu.wait_dma2 semaphore(%run_scoped3A : memref<!tpu.dma_semaphore, #tpu.memory_space<semaphore_mem>>) src(%arg8 : memref<64x768xf32, #tpu.memory_space<vmem>>) dst(%dma_wait3A_20 : memref<64x768xf32, #tpu.memory_space<hbm>>)
      tpu.yield
    }) : () -> ()
    return
  }
}

module attributes {stable_mosaic.version = 14 : i64} {
  func.func @_combine_body(%arg0: memref<2048x768xf32, #tpu.memory_space<vmem>>, %arg1: memref<2048x768xf32, #tpu.memory_space<vmem>>, %arg2: memref<2048x8xf32, #tpu.memory_space<vmem>>, %arg3: memref<2048x768xf32, #tpu.memory_space<vmem>>) attributes {dimension_semantics = [], scalar_prefetch = 0 : i64, scratch_operands = 0 : i64, tpu.core_type = #tpu.core_type<tc>} {
    %get3A = arith.constant 0 : index
    %get3A_0 = arith.constant 0 : index
    %get3A_1 = vector.load %arg2[%get3A, %get3A_0] : memref<2048x8xf32, #tpu.memory_space<vmem>>, vector<2048x8xf32>
    %slice3A = vector.extract_strided_slice %get3A_1 {offsets = [0, 2], sizes = [2048, 1], strides = [1, 1]} : vector<2048x8xf32> to vector<2048x1xf32>
    %get3A_2 = arith.constant 0 : index
    %get3A_3 = arith.constant 0 : index
    %get3A_4 = vector.load %arg0[%get3A_2, %get3A_3] : memref<2048x768xf32, #tpu.memory_space<vmem>>, vector<2048x768xf32>
    %mul3A = vector.broadcast %slice3A : vector<2048x1xf32> to vector<2048x768xf32>
    %mul3A_5 = arith.mulf %mul3A, %get3A_4 : vector<2048x768xf32>
    %slice3A_6 = vector.extract_strided_slice %get3A_1 {offsets = [0, 3], sizes = [2048, 1], strides = [1, 1]} : vector<2048x8xf32> to vector<2048x1xf32>
    %get3A_7 = arith.constant 0 : index
    %get3A_8 = arith.constant 0 : index
    %get3A_9 = vector.load %arg1[%get3A_7, %get3A_8] : memref<2048x768xf32, #tpu.memory_space<vmem>>, vector<2048x768xf32>
    %mul3A_10 = vector.broadcast %slice3A_6 : vector<2048x1xf32> to vector<2048x768xf32>
    %mul3A_11 = arith.mulf %mul3A_10, %get3A_9 : vector<2048x768xf32>
    %add3A = arith.addf %mul3A_5, %mul3A_11 : vector<2048x768xf32>
    %swap3A = arith.constant 0 : index
    %swap3A_12 = arith.constant 0 : index
    %swap3A_13 = vector.load %arg3[%swap3A, %swap3A_12] : memref<2048x768xf32, #tpu.memory_space<vmem>>, vector<2048x768xf32>
    tpu.vector_store %arg3[%swap3A, %swap3A_12], %add3A {strides = array<i32>} : memref<2048x768xf32, #tpu.memory_space<vmem>>, vector<2048x768xf32>,
    return
  }
}

module attributes {stable_mosaic.version = 14 : i64} {
  func.func @_router_body(%arg0: memref<2048x768xf32, #tpu.memory_space<vmem>>, %arg1: memref<64x768xf32, #tpu.memory_space<vmem>>, %arg2: memref<8x2048xf32, #tpu.memory_space<vmem>>, %arg3: memref<8x96xi32, #tpu.memory_space<vmem>>, %arg4: memref<2048x2xi32, #tpu.memory_space<vmem>>, %arg5: memref<2048x8xf32, #tpu.memory_space<vmem>>) attributes {dimension_semantics = [], scalar_prefetch = 0 : i64, scratch_operands = 0 : i64, tpu.core_type = #tpu.core_type<tc>} {
    %get3A = arith.constant 0 : index
    %get3A_0 = arith.constant 0 : index
    %get3A_1 = vector.load %arg0[%get3A, %get3A_0] : memref<2048x768xf32, #tpu.memory_space<vmem>>, vector<2048x768xf32>
    %get3A_2 = arith.constant 0 : index
    %get3A_3 = arith.constant 0 : index
    %get3A_4 = vector.load %arg1[%get3A_2, %get3A_3] : memref<64x768xf32, #tpu.memory_space<vmem>>, vector<64x768xf32>
    %convert_element_type3A = arith.truncf %get3A_1 : vector<2048x768xf32> to vector<2048x768xbf16>
    %convert_element_type3A_5 = arith.truncf %get3A_4 : vector<64x768xf32> to vector<64x768xbf16>
    %dot_general3A = arith.constant dense<0.000000e+00> : vector<2048x64xf32>
    %dot_general3A_6 = tpu.matmul %convert_element_type3A, %convert_element_type3A_5, %dot_general3A {dimension_numbers = #tpu.dot_dimension_numbers<[1], [1], [0], [0], [0, 0, 1, 0], [], []>, transpose_lhs_hint = false} : vector<2048x768xbf16>, vector<64x768xbf16>, vector<2048x64xf32> -> vector<2048x64xf32>
    %iota3A = tpu.iota {dimensions = array<i32: 1>} : vector<2048x64xi32>
    %convert_element_type3A_7 = arith.sitofp %iota3A : vector<2048x64xi32> to vector<2048x64xf32>
    %reduce_max3A = arith.constant dense<0xFF800000> : vector<2048xf32>
    %reduce_max3A_8 = vector.multi_reduction <maximumf>, %dot_general3A_6, %reduce_max3A [1] : vector<2048x64xf32> to vector<2048xf32>
    %broadcast_in_dim3A = vector.shape_cast %reduce_max3A_8 : vector<2048xf32> to vector<2048x1xf32>
    %eq3A = vector.broadcast %broadcast_in_dim3A : vector<2048x1xf32> to vector<2048x64xf32>
    %eq3A_9 = arith.cmpf oeq, %dot_general3A_6, %eq3A : vector<2048x64xf32>
    %jit3A = arith.constant 6.400000e+01 : f32
    %broadcast_in_dim3A_10 = vector.broadcast %jit3A : f32 to vector<2048x64xf32>
    %select_n3A = arith.select %eq3A_9, %convert_element_type3A_7, %broadcast_in_dim3A_10 : vector<2048x64xi1>, vector<2048x64xf32>
    %reduce_min3A = arith.constant dense<0x7F800000> : vector<2048xf32>
    %reduce_min3A_11 = vector.multi_reduction <minimumf>, %select_n3A, %reduce_min3A [1] : vector<2048x64xf32> to vector<2048xf32>
    %broadcast_in_dim3A_12 = vector.shape_cast %reduce_min3A_11 : vector<2048xf32> to vector<2048x1xf32>
    %eq3A_13 = vector.broadcast %broadcast_in_dim3A_12 : vector<2048x1xf32> to vector<2048x64xf32>
    %eq3A_14 = arith.cmpf oeq, %convert_element_type3A_7, %eq3A_13 : vector<2048x64xf32>
    %convert_element_type3A_15 = arith.extui %eq3A_14 : vector<2048x64xi1> to vector<2048x64xi32>
    %convert_element_type3A_16 = arith.sitofp %convert_element_type3A_15 : vector<2048x64xi32> to vector<2048x64xf32>
    %eq3A_17 = vector.broadcast %broadcast_in_dim3A_12 : vector<2048x1xf32> to vector<2048x64xf32>
    %eq3A_18 = arith.cmpf oeq, %convert_element_type3A_7, %eq3A_17 : vector<2048x64xf32>
    %jit3A_19 = arith.constant 0xFF800000 : f32
    %broadcast_in_dim3A_20 = vector.broadcast %jit3A_19 : f32 to vector<2048x64xf32>
    %select_n3A_21 = arith.select %eq3A_18, %broadcast_in_dim3A_20, %dot_general3A_6 : vector<2048x64xi1>, vector<2048x64xf32>
    %reduce_max3A_22 = arith.constant dense<0xFF800000> : vector<2048xf32>
    %reduce_max3A_23 = vector.multi_reduction <maximumf>, %select_n3A_21, %reduce_max3A_22 [1] : vector<2048x64xf32> to vector<2048xf32>
    %broadcast_in_dim3A_24 = vector.shape_cast %reduce_max3A_23 : vector<2048xf32> to vector<2048x1xf32>
    %eq3A_25 = vector.broadcast %broadcast_in_dim3A_24 : vector<2048x1xf32> to vector<2048x64xf32>
    %eq3A_26 = arith.cmpf oeq, %select_n3A_21, %eq3A_25 : vector<2048x64xf32>
    %jit3A_27 = arith.constant 6.400000e+01 : f32
    %broadcast_in_dim3A_28 = vector.broadcast %jit3A_27 : f32 to vector<2048x64xf32>
    %select_n3A_29 = arith.select %eq3A_26, %convert_element_type3A_7, %broadcast_in_dim3A_28 : vector<2048x64xi1>, vector<2048x64xf32>
    %reduce_min3A_30 = arith.constant dense<0x7F800000> : vector<2048xf32>
    %reduce_min3A_31 = vector.multi_reduction <minimumf>, %select_n3A_29, %reduce_min3A_30 [1] : vector<2048x64xf32> to vector<2048xf32>
    %broadcast_in_dim3A_32 = vector.shape_cast %reduce_min3A_31 : vector<2048xf32> to vector<2048x1xf32>
    %eq3A_33 = vector.broadcast %broadcast_in_dim3A_32 : vector<2048x1xf32> to vector<2048x64xf32>
    %eq3A_34 = arith.cmpf oeq, %convert_element_type3A_7, %eq3A_33 : vector<2048x64xf32>
    %convert_element_type3A_35 = arith.extui %eq3A_34 : vector<2048x64xi1> to vector<2048x64xi32>
    %convert_element_type3A_36 = arith.sitofp %convert_element_type3A_35 : vector<2048x64xi32> to vector<2048x64xf32>
    %sub3A = arith.subf %broadcast_in_dim3A_24, %broadcast_in_dim3A : vector<2048x1xf32>
    %exp3A = math.exp %sub3A : vector<2048x1xf32>
    %add3A = arith.constant 1.000000e+00 : f32
    %add3A_37 = vector.broadcast %add3A : f32 to vector<2048x1xf32>
    %add3A_38 = arith.addf %add3A_37, %exp3A : vector<2048x1xf32>
    %div3A = arith.constant 1.000000e+00 : f32
    %div3A_39 = vector.broadcast %div3A : f32 to vector<2048x1xf32>
    %div3A_40 = arith.divf %div3A_39, %add3A_38 : vector<2048x1xf32>
    %sub3A_41 = arith.constant 1.000000e+00 : f32
    %sub3A_42 = vector.broadcast %sub3A_41 : f32 to vector<2048x1xf32>
    %sub3A_43 = arith.subf %sub3A_42, %div3A_40 : vector<2048x1xf32>
    %broadcast_in_dim3A_44 = arith.constant 1.000000e+00 : f32
    %broadcast_in_dim3A_45 = vector.broadcast %broadcast_in_dim3A_44 : f32 to vector<2048x1xf32>
    %add3A_46 = arith.addf %convert_element_type3A_16, %convert_element_type3A_36 : vector<2048x64xf32>
    %dot_general3A_47 = arith.constant dense<0.000000e+00> : vector<64x1xf32>
    %dot_general3A_48 = tpu.matmul %add3A_46, %broadcast_in_dim3A_45, %dot_general3A_47 {dimension_numbers = #tpu.dot_dimension_numbers<[0], [0], [1], [1], [0, 1, 1, 1], [], []>, transpose_lhs_hint = false} : vector<2048x64xf32>, vector<2048x1xf32>, vector<64x1xf32> -> vector<64x1xf32>
    %add3A_49 = arith.constant 1.270000e+02 : f32
    %add3A_50 = vector.broadcast %add3A_49 : f32 to vector<64x1xf32>
    %add3A_51 = arith.addf %dot_general3A_48, %add3A_50 : vector<64x1xf32>
    %div3A_52 = arith.constant 1.280000e+02 : f32
    %div3A_53 = vector.broadcast %div3A_52 : f32 to vector<64x1xf32>
    %div3A_54 = arith.divf %add3A_51, %div3A_53 : vector<64x1xf32>
    %floor3A = math.floor %div3A_54 : vector<64x1xf32>
    %iota3A_55 = tpu.iota {dimensions = array<i32: 1>} : vector<64x64xi32>
    %iota3A_56 = tpu.iota {dimensions = array<i32: 0>} : vector<64x64xi32>
    %lt3A = arith.cmpi slt, %iota3A_55, %iota3A_56 : vector<64x64xi32>
    %convert_element_type3A_57 = arith.extui %lt3A : vector<64x64xi1> to vector<64x64xi32>
    %convert_element_type3A_58 = arith.sitofp %convert_element_type3A_57 : vector<64x64xi32> to vector<64x64xf32>
    %dot_general3A_59 = arith.constant dense<0.000000e+00> : vector<64x1xf32>
    %dot_general3A_60 = tpu.matmul %convert_element_type3A_58, %floor3A, %dot_general3A_59 {dimension_numbers = #tpu.dot_dimension_numbers<[1], [0], [0], [1], [0, 0, 1, 1], [], []>, transpose_lhs_hint = false} : vector<64x64xf32>, vector<64x1xf32>, vector<64x1xf32> -> vector<64x1xf32>
    %add3A_61 = arith.addf %dot_general3A_60, %floor3A : vector<64x1xf32>
    %add3A_62 = arith.addf %convert_element_type3A_16, %convert_element_type3A_36 : vector<2048x64xf32>
    %iota3A_63 = tpu.iota {dimensions = array<i32: 0>} : vector<256x2048xi32>
    %add3A_64 = arith.constant 0 : i32
    %add3A_65 = vector.broadcast %add3A_64 : i32 to vector<256x2048xi32>
    %add3A_66 = arith.addi %iota3A_63, %add3A_65 : vector<256x2048xi32>
    %iota3A_67 = tpu.iota {dimensions = array<i32: 1>} : vector<256x2048xi32>
    %lt3A_68 = arith.cmpi slt, %iota3A_67, %add3A_66 : vector<256x2048xi32>
    %convert_element_type3A_69 = arith.extui %lt3A_68 : vector<256x2048xi1> to vector<256x2048xi32>
    %convert_element_type3A_70 = arith.sitofp %convert_element_type3A_69 : vector<256x2048xi32> to vector<256x2048xf32>
    %dot_general3A_71 = arith.constant dense<0.000000e+00> : vector<256x64xf32>
    %dot_general3A_72 = tpu.matmul %convert_element_type3A_70, %add3A_62, %dot_general3A_71 {dimension_numbers = #tpu.dot_dimension_numbers<[1], [0], [0], [1], [0, 0, 1, 1], [], []>, transpose_lhs_hint = false} : vector<256x2048xf32>, vector<2048x64xf32>, vector<256x64xf32> -> vector<256x64xf32>
    %iota3A_73 = tpu.iota {dimensions = array<i32: 0>} : vector<256x2048xi32>
    %add3A_74 = arith.constant 256 : i32
    %add3A_75 = vector.broadcast %add3A_74 : i32 to vector<256x2048xi32>
    %add3A_76 = arith.addi %iota3A_73, %add3A_75 : vector<256x2048xi32>
    %iota3A_77 = tpu.iota {dimensions = array<i32: 1>} : vector<256x2048xi32>
    %lt3A_78 = arith.cmpi slt, %iota3A_77, %add3A_76 : vector<256x2048xi32>
    %convert_element_type3A_79 = arith.extui %lt3A_78 : vector<256x2048xi1> to vector<256x2048xi32>
    %convert_element_type3A_80 = arith.sitofp %convert_element_type3A_79 : vector<256x2048xi32> to vector<256x2048xf32>
    %dot_general3A_81 = arith.constant dense<0.000000e+00> : vector<256x64xf32>
    %dot_general3A_82 = tpu.matmul %convert_element_type3A_80, %add3A_62, %dot_general3A_81 {dimension_numbers = #tpu.dot_dimension_numbers<[1], [0], [0], [1], [0, 0, 1, 1], [], []>, transpose_lhs_hint = false} : vector<256x2048xf32>, vector<2048x64xf32>, vector<256x64xf32> -> vector<256x64xf32>
    %iota3A_83 = tpu.iota {dimensions = array<i32: 0>} : vector<256x2048xi32>
    %add3A_84 = arith.constant 512 : i32
    %add3A_85 = vector.broadcast %add3A_84 : i32 to vector<256x2048xi32>
    %add3A_86 = arith.addi %iota3A_83, %add3A_85 : vector<256x2048xi32>
    %iota3A_87 = tpu.iota {dimensions = array<i32: 1>} : vector<256x2048xi32>
    %lt3A_88 = arith.cmpi slt, %iota3A_87, %add3A_86 : vector<256x2048xi32>
    %convert_element_type3A_89 = arith.extui %lt3A_88 : vector<256x2048xi1> to vector<256x2048xi32>
    %convert_element_type3A_90 = arith.sitofp %convert_element_type3A_89 : vector<256x2048xi32> to vector<256x2048xf32>
    %dot_general3A_91 = arith.constant dense<0.000000e+00> : vector<256x64xf32>
    %dot_general3A_92 = tpu.matmul %convert_element_type3A_90, %add3A_62, %dot_general3A_91 {dimension_numbers = #tpu.dot_dimension_numbers<[1], [0], [0], [1], [0, 0, 1, 1], [], []>, transpose_lhs_hint = false} : vector<256x2048xf32>, vector<2048x64xf32>, vector<256x64xf32> -> vector<256x64xf32>
    %iota3A_93 = tpu.iota {dimensions = array<i32: 0>} : vector<256x2048xi32>
    %add3A_94 = arith.constant 768 : i32
    %add3A_95 = vector.broadcast %add3A_94 : i32 to vector<256x2048xi32>
    %add3A_96 = arith.addi %iota3A_93, %add3A_95 : vector<256x2048xi32>
    %iota3A_97 = tpu.iota {dimensions = array<i32: 1>} : vector<256x2048xi32>
    %lt3A_98 = arith.cmpi slt, %iota3A_97, %add3A_96 : vector<256x2048xi32>
    %convert_element_type3A_99 = arith.extui %lt3A_98 : vector<256x2048xi1> to vector<256x2048xi32>
    %convert_element_type3A_100 = arith.sitofp %convert_element_type3A_99 : vector<256x2048xi32> to vector<256x2048xf32>
    %dot_general3A_101 = arith.constant dense<0.000000e+00> : vector<256x64xf32>
    %dot_general3A_102 = tpu.matmul %convert_element_type3A_100, %add3A_62, %dot_general3A_101 {dimension_numbers = #tpu.dot_dimension_numbers<[1], [0], [0], [1], [0, 0, 1, 1], [], []>, transpose_lhs_hint = false} : vector<256x2048xf32>, vector<2048x64xf32>, vector<256x64xf32> -> vector<256x64xf32>
    %iota3A_103 = tpu.iota {dimensions = array<i32: 0>} : vector<256x2048xi32>
    %add3A_104 = arith.constant 1024 : i32
    %add3A_105 = vector.broadcast %add3A_104 : i32 to vector<256x2048xi32>
    %add3A_106 = arith.addi %iota3A_103, %add3A_105 : vector<256x2048xi32>
    %iota3A_107 = tpu.iota {dimensions = array<i32: 1>} : vector<256x2048xi32>
    %lt3A_108 = arith.cmpi slt, %iota3A_107, %add3A_106 : vector<256x2048xi32>
    %convert_element_type3A_109 = arith.extui %lt3A_108 : vector<256x2048xi1> to vector<256x2048xi32>
    %convert_element_type3A_110 = arith.sitofp %convert_element_type3A_109 : vector<256x2048xi32> to vector<256x2048xf32>
    %dot_general3A_111 = arith.constant dense<0.000000e+00> : vector<256x64xf32>
    %dot_general3A_112 = tpu.matmul %convert_element_type3A_110, %add3A_62, %dot_general3A_111 {dimension_numbers = #tpu.dot_dimension_numbers<[1], [0], [0], [1], [0, 0, 1, 1], [], []>, transpose_lhs_hint = false} : vector<256x2048xf32>, vector<2048x64xf32>, vector<256x64xf32> -> vector<256x64xf32>
    %iota3A_113 = tpu.iota {dimensions = array<i32: 0>} : vector<256x2048xi32>
    %add3A_114 = arith.constant 1280 : i32
    %add3A_115 = vector.broadcast %add3A_114 : i32 to vector<256x2048xi32>
    %add3A_116 = arith.addi %iota3A_113, %add3A_115 : vector<256x2048xi32>
    %iota3A_117 = tpu.iota {dimensions = array<i32: 1>} : vector<256x2048xi32>
    %lt3A_118 = arith.cmpi slt, %iota3A_117, %add3A_116 : vector<256x2048xi32>
    %convert_element_type3A_119 = arith.extui %lt3A_118 : vector<256x2048xi1> to vector<256x2048xi32>
    %convert_element_type3A_120 = arith.sitofp %convert_element_type3A_119 : vector<256x2048xi32> to vector<256x2048xf32>
    %dot_general3A_121 = arith.constant dense<0.000000e+00> : vector<256x64xf32>
    %dot_general3A_122 = tpu.matmul %convert_element_type3A_120, %add3A_62, %dot_general3A_121 {dimension_numbers = #tpu.dot_dimension_numbers<[1], [0], [0], [1], [0, 0, 1, 1], [], []>, transpose_lhs_hint = false} : vector<256x2048xf32>, vector<2048x64xf32>, vector<256x64xf32> -> vector<256x64xf32>
    %iota3A_123 = tpu.iota {dimensions = array<i32: 0>} : vector<256x2048xi32>
    %add3A_124 = arith.constant 1536 : i32
    %add3A_125 = vector.broadcast %add3A_124 : i32 to vector<256x2048xi32>
    %add3A_126 = arith.addi %iota3A_123, %add3A_125 : vector<256x2048xi32>
    %iota3A_127 = tpu.iota {dimensions = array<i32: 1>} : vector<256x2048xi32>
    %lt3A_128 = arith.cmpi slt, %iota3A_127, %add3A_126 : vector<256x2048xi32>
    %convert_element_type3A_129 = arith.extui %lt3A_128 : vector<256x2048xi1> to vector<256x2048xi32>
    %convert_element_type3A_130 = arith.sitofp %convert_element_type3A_129 : vector<256x2048xi32> to vector<256x2048xf32>
    %dot_general3A_131 = arith.constant dense<0.000000e+00> : vector<256x64xf32>
    %dot_general3A_132 = tpu.matmul %convert_element_type3A_130, %add3A_62, %dot_general3A_131 {dimension_numbers = #tpu.dot_dimension_numbers<[1], [0], [0], [1], [0, 0, 1, 1], [], []>, transpose_lhs_hint = false} : vector<256x2048xf32>, vector<2048x64xf32>, vector<256x64xf32> -> vector<256x64xf32>
    %iota3A_133 = tpu.iota {dimensions = array<i32: 0>} : vector<256x2048xi32>
    %add3A_134 = arith.constant 1792 : i32
    %add3A_135 = vector.broadcast %add3A_134 : i32 to vector<256x2048xi32>
    %add3A_136 = arith.addi %iota3A_133, %add3A_135 : vector<256x2048xi32>
    %iota3A_137 = tpu.iota {dimensions = array<i32: 1>} : vector<256x2048xi32>
    %lt3A_138 = arith.cmpi slt, %iota3A_137, %add3A_136 : vector<256x2048xi32>
    %convert_element_type3A_139 = arith.extui %lt3A_138 : vector<256x2048xi1> to vector<256x2048xi32>
    %convert_element_type3A_140 = arith.sitofp %convert_element_type3A_139 : vector<256x2048xi32> to vector<256x2048xf32>
    %dot_general3A_141 = arith.constant dense<0.000000e+00> : vector<256x64xf32>
    %dot_general3A_142 = tpu.matmul %convert_element_type3A_140, %add3A_62, %dot_general3A_141 {dimension_numbers = #tpu.dot_dimension_numbers<[1], [0], [0], [1], [0, 0, 1, 1], [], []>, transpose_lhs_hint = false} : vector<256x2048xf32>, vector<2048x64xf32>, vector<256x64xf32> -> vector<256x64xf32>
    %concatenate3A = tpu.concatenate %dot_general3A_72, %dot_general3A_82, %dot_general3A_92, %dot_general3A_102, %dot_general3A_112, %dot_general3A_122, %dot_general3A_132, %dot_general3A_142 in 0 : vector<256x64xf32>, vector<256x64xf32>, vector<256x64xf32>, vector<256x64xf32>, vector<256x64xf32>, vector<256x64xf32>, vector<256x64xf32>, vector<256x64xf32> -> vector<2048x64xf32>
    %dot_general3A_143 = arith.constant dense<0.000000e+00> : vector<2048x1xf32>
    %dot_general3A_144 = tpu.matmul %convert_element_type3A_16, %dot_general3A_60, %dot_general3A_143 {dimension_numbers = #tpu.dot_dimension_numbers<[1], [0], [0], [1], [0, 0, 1, 1], [], []>, transpose_lhs_hint = false} : vector<2048x64xf32>, vector<64x1xf32>, vector<2048x1xf32> -> vector<2048x1xf32>
    %dot_general3A_145 = arith.constant dense<0.000000e+00> : vector<2048x1xf32>
    %dot_general3A_146 = tpu.matmul %convert_element_type3A_36, %dot_general3A_60, %dot_general3A_145 {dimension_numbers = #tpu.dot_dimension_numbers<[1], [0], [0], [1], [0, 0, 1, 1], [], []>, transpose_lhs_hint = false} : vector<2048x64xf32>, vector<64x1xf32>, vector<2048x1xf32> -> vector<2048x1xf32>
    %mul3A = arith.mulf %concatenate3A, %convert_element_type3A_16 : vector<2048x64xf32>
    %reduce_sum3A = arith.constant dense<0.000000e+00> : vector<2048xf32>
    %reduce_sum3A_147 = vector.multi_reduction <add>, %mul3A, %reduce_sum3A [1] : vector<2048x64xf32> to vector<2048xf32>
    %broadcast_in_dim3A_148 = vector.shape_cast %reduce_sum3A_147 : vector<2048xf32> to vector<2048x1xf32>
    %mul3A_149 = arith.mulf %concatenate3A, %convert_element_type3A_36 : vector<2048x64xf32>
    %reduce_sum3A_150 = arith.constant dense<0.000000e+00> : vector<2048xf32>
    %reduce_sum3A_151 = vector.multi_reduction <add>, %mul3A_149, %reduce_sum3A_150 [1] : vector<2048x64xf32> to vector<2048xf32>
    %broadcast_in_dim3A_152 = vector.shape_cast %reduce_sum3A_151 : vector<2048xf32> to vector<2048x1xf32>
    %mul3A_153 = arith.constant 1.280000e+02 : f32
    %mul3A_154 = vector.broadcast %mul3A_153 : f32 to vector<2048x1xf32>
    %mul3A_155 = arith.mulf %dot_general3A_144, %mul3A_154 : vector<2048x1xf32>
    %add3A_156 = arith.addf %mul3A_155, %broadcast_in_dim3A_148 : vector<2048x1xf32>
    %mul3A_157 = arith.constant 1.280000e+02 : f32
    %mul3A_158 = vector.broadcast %mul3A_157 : f32 to vector<2048x1xf32>
    %mul3A_159 = arith.mulf %dot_general3A_146, %mul3A_158 : vector<2048x1xf32>
    %add3A_160 = arith.addf %mul3A_159, %broadcast_in_dim3A_152 : vector<2048x1xf32>
    %concatenate3A_161 = tpu.concatenate %add3A_156, %add3A_160 in 1 : vector<2048x1xf32>, vector<2048x1xf32> -> vector<2048x2xf32>
    %convert_element_type3A_162 = arith.fptosi %concatenate3A_161 : vector<2048x2xf32> to vector<2048x2xi32>
    %swap3A = arith.constant 0 : index
    %swap3A_163 = arith.constant 0 : index
    %swap3A_164 = vector.load %arg4[%swap3A, %swap3A_163] : memref<2048x2xi32, #tpu.memory_space<vmem>>, vector<2048x2xi32>
    tpu.vector_store %arg4[%swap3A, %swap3A_163], %convert_element_type3A_162 {strides = array<i32>} : memref<2048x2xi32, #tpu.memory_space<vmem>>, vector<2048x2xi32>,
    %concatenate3A_165 = tpu.concatenate %add3A_156, %add3A_160, %div3A_40, %sub3A_43, %div3A_40, %div3A_40, %div3A_40, %div3A_40 in 1 : vector<2048x1xf32>, vector<2048x1xf32>, vector<2048x1xf32>, vector<2048x1xf32>, vector<2048x1xf32>, vector<2048x1xf32>, vector<2048x1xf32>, vector<2048x1xf32> -> vector<2048x8xf32>
    %swap3A_166 = arith.constant 0 : index
    %swap3A_167 = arith.constant 0 : index
    %swap3A_168 = vector.load %arg5[%swap3A_166, %swap3A_167] : memref<2048x8xf32, #tpu.memory_space<vmem>>, vector<2048x8xf32>
    tpu.vector_store %arg5[%swap3A_166, %swap3A_167], %concatenate3A_165 {strides = array<i32>} : memref<2048x8xf32, #tpu.memory_space<vmem>>, vector<2048x8xf32>,
    %iota3A_169 = tpu.iota {dimensions = array<i32: 0>} : vector<2048x2048xi32>
    %iota3A_170 = tpu.iota {dimensions = array<i32: 1>} : vector<2048x2048xi32>
    %eq3A_171 = arith.cmpi eq, %iota3A_169, %iota3A_170 : vector<2048x2048xi32>
    %convert_element_type3A_172 = arith.extui %eq3A_171 : vector<2048x2048xi1> to vector<2048x2048xi32>
    %convert_element_type3A_173 = arith.sitofp %convert_element_type3A_172 : vector<2048x2048xi32> to vector<2048x2048xf32>
    %dot_general3A_174 = arith.constant dense<0.000000e+00> : vector<8x2048xf32>
    %dot_general3A_175 = tpu.matmul %concatenate3A_165, %convert_element_type3A_173, %dot_general3A_174 {dimension_numbers = #tpu.dot_dimension_numbers<[0], [0], [1], [1], [0, 1, 1, 1], [], []>, precision = #tpu.contract_precision<fp32>, transpose_lhs_hint = false} : vector<2048x8xf32>, vector<2048x2048xf32>, vector<8x2048xf32> -> vector<8x2048xf32>
    %swap3A_176 = arith.constant 0 : index
    %swap3A_177 = arith.constant 0 : index
    %swap3A_178 = vector.load %arg2[%swap3A_176, %swap3A_177] : memref<8x2048xf32, #tpu.memory_space<vmem>>, vector<8x2048xf32>
    tpu.vector_store %arg2[%swap3A_176, %swap3A_177], %dot_general3A_175 {strides = array<i32>} : memref<8x2048xf32, #tpu.memory_space<vmem>>, vector<8x2048xf32>,
    %iota3A_179 = tpu.iota {dimensions = array<i32: 1>} : vector<64x96xi32>
    %convert_element_type3A_180 = arith.sitofp %iota3A_179 : vector<64x96xi32> to vector<64x96xf32>
    %le3A = vector.broadcast %add3A_61 : vector<64x1xf32> to vector<64x96xf32>
    %le3A_181 = arith.cmpf ole, %le3A, %convert_element_type3A_180 : vector<64x96xf32>
    %convert_element_type3A_182 = arith.extui %le3A_181 : vector<64x96xi1> to vector<64x96xi32>
    %convert_element_type3A_183 = arith.sitofp %convert_element_type3A_182 : vector<64x96xi32> to vector<64x96xf32>
    %reduce_sum3A_184 = arith.constant dense<0.000000e+00> : vector<96xf32>
    %reduce_sum3A_185 = vector.multi_reduction <add>, %convert_element_type3A_183, %reduce_sum3A_184 [0] : vector<64x96xf32> to vector<96xf32>
    %broadcast_in_dim3A_186 = vector.shape_cast %reduce_sum3A_185 : vector<96xf32> to vector<1x96xf32>
    %min3A = arith.constant 6.300000e+01 : f32
    %min3A_187 = vector.broadcast %min3A : f32 to vector<1x96xf32>
    %min3A_188 = arith.minimumf %broadcast_in_dim3A_186, %min3A_187 : vector<1x96xf32>
    %reduce_sum3A_189 = vector.shape_cast %floor3A : vector<64x1xf32> to vector<1x64x1xf32>
    %reduce_sum3A_190 = arith.constant dense<0.000000e+00> : vector<1xf32>
    %reduce_sum3A_191 = vector.multi_reduction <add>, %reduce_sum3A_189, %reduce_sum3A_190 [1, 2] : vector<1x64x1xf32> to vector<1xf32>
    %reduce_sum3A_192 = vector.shape_cast %reduce_sum3A_191 : vector<1xf32> to vector<1x1x1xf32>
    %reduce_sum3A_193 = vector.extract %reduce_sum3A_192[0, 0, 0] : f32 from vector<1x1x1xf32>
    %broadcast_in_dim3A_194 = vector.broadcast %reduce_sum3A_193 : f32 to vector<1x96xf32>
    %concatenate3A_195 = tpu.concatenate %min3A_188, %broadcast_in_dim3A_194, %min3A_188, %min3A_188, %min3A_188, %min3A_188, %min3A_188, %min3A_188 in 0 : vector<1x96xf32>, vector<1x96xf32>, vector<1x96xf32>, vector<1x96xf32>, vector<1x96xf32>, vector<1x96xf32>, vector<1x96xf32>, vector<1x96xf32> -> vector<8x96xf32>
    %convert_element_type3A_196 = arith.fptosi %concatenate3A_195 : vector<8x96xf32> to vector<8x96xi32>
    %swap3A_197 = arith.constant 0 : index
    %swap3A_198 = arith.constant 0 : index
    %swap3A_199 = vector.load %arg3[%swap3A_197, %swap3A_198] : memref<8x96xi32, #tpu.memory_space<vmem>>, vector<8x96xi32>
    tpu.vector_store %arg3[%swap3A_197, %swap3A_198], %convert_element_type3A_196 {strides = array<i32>} : memref<8x96xi32, #tpu.memory_space<vmem>>, vector<8x96xi32>,
    return
  }
}

module attributes {stable_mosaic.version = 14 : i64} {
  func.func @_ffn_body(%arg0: i32, %arg1: memref<96xi32, #tpu.memory_space<smem>>, %arg2: memref<1xi32, #tpu.memory_space<smem>>, %arg3: memref<8x2048xf32, #tpu.memory_space<vmem>>, %arg4: memref<2048x768xf32, #tpu.memory_space<vmem>>, %arg5: memref<1x1024x768xf32, #tpu.memory_space<vmem>>, %arg6: memref<1x768x512xf32, #tpu.memory_space<vmem>>, %arg7: memref<128x768xf32, #tpu.memory_space<vmem>>) attributes {dimension_semantics = [#tpu.dimension_semantics<arbitrary>], iteration_bounds = array<i64: 96>, scalar_prefetch = 2 : i64, scratch_operands = 0 : i64, tpu.core_type = #tpu.core_type<tc>, window_params = [{pipeline_mode = #tpu.pipeline_mode<synchronous>, transform_indices = @transform_0, window_bounds = array<i64: 8, 2048>}, {pipeline_mode = #tpu.pipeline_mode<synchronous>, transform_indices = @transform_1, window_bounds = array<i64: 2048, 768>}, {transform_indices = @transform_2, window_bounds = array<i64: 1, 1024, 768>}, {transform_indices = @transform_3, window_bounds = array<i64: 1, 768, 512>}, {transform_indices = @transform_4, window_bounds = array<i64: 128, 768>}]} {
    %get3A = arith.constant 0 : index
    %get3A_0 = memref.load %arg2[%get3A] : memref<1xi32, #tpu.memory_space<smem>>
    %lt3A = arith.cmpi slt, %arg0, %get3A_0 : i32
    %convert_element_type3A = arith.extui %lt3A : i1 to i32
    %cond3A = arith.constant 0 : i32
    %cond3A_1 = arith.cmpi ne, %convert_element_type3A, %cond3A : i32
    scf.if %cond3A_1 {
      %get3A_2 = arith.constant 0 : index
      %get3A_3 = arith.constant 0 : index
      %get3A_4 = vector.load %arg3[%get3A_2, %get3A_3] : memref<8x2048xf32, #tpu.memory_space<vmem>>, vector<8x2048xf32>
      %slice3A = vector.extract_strided_slice %get3A_4 {offsets = [0, 0], sizes = [1, 2048], strides = [1, 1]} : vector<8x2048xf32> to vector<1x2048xf32>
      %slice3A_5 = vector.extract_strided_slice %get3A_4 {offsets = [1, 0], sizes = [1, 2048], strides = [1, 1]} : vector<8x2048xf32> to vector<1x2048xf32>
      %iota3A = tpu.iota {dimensions = array<i32: 0>} : vector<128x2048xi32>
      %mul3A = arith.constant 128 : i32
      %mul3A_6 = arith.muli %arg0, %mul3A : i32
      %add3A = vector.broadcast %mul3A_6 : i32 to vector<128x2048xi32>
      %add3A_7 = arith.addi %iota3A, %add3A : vector<128x2048xi32>
      %convert_element_type3A_8 = arith.sitofp %add3A_7 : vector<128x2048xi32> to vector<128x2048xf32>
      %eq3A = vector.broadcast %slice3A : vector<1x2048xf32> to vector<128x2048xf32>
      %eq3A_9 = arith.cmpf oeq, %convert_element_type3A_8, %eq3A : vector<128x2048xf32>
      %convert_element_type3A_10 = arith.extui %eq3A_9 : vector<128x2048xi1> to vector<128x2048xi32>
      %convert_element_type3A_11 = arith.sitofp %convert_element_type3A_10 : vector<128x2048xi32> to vector<128x2048xf32>
      %convert_element_type3A_12 = arith.truncf %convert_element_type3A_11 : vector<128x2048xf32> to vector<128x2048xbf16>
      %eq3A_13 = vector.broadcast %slice3A_5 : vector<1x2048xf32> to vector<128x2048xf32>
      %eq3A_14 = arith.cmpf oeq, %convert_element_type3A_8, %eq3A_13 : vector<128x2048xf32>
      %convert_element_type3A_15 = arith.extui %eq3A_14 : vector<128x2048xi1> to vector<128x2048xi32>
      %convert_element_type3A_16 = arith.sitofp %convert_element_type3A_15 : vector<128x2048xi32> to vector<128x2048xf32>
      %convert_element_type3A_17 = arith.truncf %convert_element_type3A_16 : vector<128x2048xf32> to vector<128x2048xbf16>
      %add3A_18 = arith.addf %convert_element_type3A_12, %convert_element_type3A_17 : vector<128x2048xbf16>
      %get3A_19 = arith.constant 0 : index
      %get3A_20 = arith.constant 0 : index
      %get3A_21 = vector.load %arg4[%get3A_19, %get3A_20] : memref<2048x768xf32, #tpu.memory_space<vmem>>, vector<2048x768xf32>
      %convert_element_type3A_22 = arith.truncf %get3A_21 : vector<2048x768xf32> to vector<2048x768xbf16>
      %dot_general3A = arith.constant dense<0.000000e+00> : vector<128x768xf32>
      %dot_general3A_23 = tpu.matmul %add3A_18, %convert_element_type3A_22, %dot_general3A {dimension_numbers = #tpu.dot_dimension_numbers<[1], [0], [0], [1], [0, 0, 1, 1], [], []>, transpose_lhs_hint = false} : vector<128x2048xbf16>, vector<2048x768xbf16>, vector<128x768xf32> -> vector<128x768xf32>
      %convert_element_type3A_24 = arith.truncf %dot_general3A_23 : vector<128x768xf32> to vector<128x768xbf16>
      %get3A_25 = arith.constant 0 : index
      %get3A_26 = arith.constant 0 : index
      %get3A_27 = arith.constant 0 : index
      %get3A_28 = vector.load %arg5[%get3A_25, %get3A_26, %get3A_27] : memref<1x1024x768xf32, #tpu.memory_space<vmem>>, vector<1x1024x768xf32>
      %get3A_29 = vector.shape_cast %get3A_28 : vector<1x1024x768xf32> to vector<1024x768xf32>
      %convert_element_type3A_30 = arith.truncf %get3A_29 : vector<1024x768xf32> to vector<1024x768xbf16>
      %slice3A_31 = vector.extract_strided_slice %convert_element_type3A_30 {offsets = [0, 0], sizes = [512, 768], strides = [1, 1]} : vector<1024x768xbf16> to vector<512x768xbf16>
      %dot_general3A_32 = arith.constant dense<0.000000e+00> : vector<128x512xf32>
      %dot_general3A_33 = tpu.matmul %convert_element_type3A_24, %slice3A_31, %dot_general3A_32 {dimension_numbers = #tpu.dot_dimension_numbers<[1], [1], [0], [0], [0, 0, 1, 0], [], []>, transpose_lhs_hint = false} : vector<128x768xbf16>, vector<512x768xbf16>, vector<128x512xf32> -> vector<128x512xf32>
      %slice3A_34 = vector.extract_strided_slice %convert_element_type3A_30 {offsets = [512, 0], sizes = [512, 768], strides = [1, 1]} : vector<1024x768xbf16> to vector<512x768xbf16>
      %dot_general3A_35 = arith.constant dense<0.000000e+00> : vector<128x512xf32>
      %dot_general3A_36 = tpu.matmul %convert_element_type3A_24, %slice3A_34, %dot_general3A_35 {dimension_numbers = #tpu.dot_dimension_numbers<[1], [1], [0], [0], [0, 0, 1, 0], [], []>, transpose_lhs_hint = false} : vector<128x768xbf16>, vector<512x768xbf16>, vector<128x512xf32> -> vector<128x512xf32>
      %neg3A = arith.constant 0.000000e+00 : f32
      %neg3A_37 = vector.broadcast %neg3A : f32 to vector<128x512xf32>
      %neg3A_38 = arith.subf %neg3A_37, %dot_general3A_33 : vector<128x512xf32>
      %exp3A = math.exp %neg3A_38 : vector<128x512xf32>
      %add3A_39 = arith.constant 1.000000e+00 : f32
      %add3A_40 = vector.broadcast %add3A_39 : f32 to vector<128x512xf32>
      %add3A_41 = arith.addf %add3A_40, %exp3A : vector<128x512xf32>
      %div3A = arith.constant 1.000000e+00 : f32
      %div3A_42 = vector.broadcast %div3A : f32 to vector<128x512xf32>
      %div3A_43 = arith.divf %div3A_42, %add3A_41 : vector<128x512xf32>
      %mul3A_44 = arith.mulf %dot_general3A_33, %div3A_43 : vector<128x512xf32>
      %mul3A_45 = arith.mulf %mul3A_44, %dot_general3A_36 : vector<128x512xf32>
      %convert_element_type3A_46 = arith.truncf %mul3A_45 : vector<128x512xf32> to vector<128x512xbf16>
      %get3A_47 = arith.constant 0 : index
      %get3A_48 = arith.constant 0 : index
      %get3A_49 = arith.constant 0 : index
      %get3A_50 = vector.load %arg6[%get3A_47, %get3A_48, %get3A_49] : memref<1x768x512xf32, #tpu.memory_space<vmem>>, vector<1x768x512xf32>
      %get3A_51 = vector.shape_cast %get3A_50 : vector<1x768x512xf32> to vector<768x512xf32>
      %convert_element_type3A_52 = arith.truncf %get3A_51 : vector<768x512xf32> to vector<768x512xbf16>
      %dot_general3A_53 = arith.constant dense<0.000000e+00> : vector<128x768xf32>
      %dot_general3A_54 = tpu.matmul %convert_element_type3A_46, %convert_element_type3A_52, %dot_general3A_53 {dimension_numbers = #tpu.dot_dimension_numbers<[1], [1], [0], [0], [0, 0, 1, 0], [], []>, transpose_lhs_hint = false} : vector<128x512xbf16>, vector<768x512xbf16>, vector<128x768xf32> -> vector<128x768xf32>
      %swap3A = arith.constant 0 : index
      %swap3A_55 = arith.constant 0 : index
      %swap3A_56 = vector.load %arg7[%swap3A, %swap3A_55] : memref<128x768xf32, #tpu.memory_space<vmem>>, vector<128x768xf32>
      tpu.vector_store %arg7[%swap3A, %swap3A_55], %dot_general3A_54 {strides = array<i32>} : memref<128x768xf32, #tpu.memory_space<vmem>>, vector<128x768xf32>,
    } else {
    }
    return
  }
  func.func @transform_0(%arg0: i32, %arg1: memref<96xi32, #tpu.memory_space<smem>>, %arg2: memref<1xi32, #tpu.memory_space<smem>>) -> (i32, i32) {
    %c0_i32 = arith.constant 0 : i32
    %c0_i32_0 = arith.constant 0 : i32
    %c0_i32_1 = arith.constant 0 : i32
    return %c0_i32, %c0_i32_0 : i32, i32
  }
  func.func @transform_1(%arg0: i32, %arg1: memref<96xi32, #tpu.memory_space<smem>>, %arg2: memref<1xi32, #tpu.memory_space<smem>>) -> (i32, i32) {
    %c0_i32 = arith.constant 0 : i32
    %c0_i32_0 = arith.constant 0 : i32
    %c0_i32_1 = arith.constant 0 : i32
    return %c0_i32, %c0_i32_0 : i32, i32
  }
  func.func @transform_2(%arg0: i32, %arg1: memref<96xi32, #tpu.memory_space<smem>>, %arg2: memref<1xi32, #tpu.memory_space<smem>>) -> (i32, i32, i32) {
    %get3A = arith.index_cast %arg0 : i32 to index
    %get3A_0 = memref.load %arg1[%get3A] : memref<96xi32, #tpu.memory_space<smem>>
    %c0_i32 = arith.constant 0 : i32
    %c0_i32_1 = arith.constant 0 : i32
    %c0_i32_2 = arith.constant 0 : i32
    return %get3A_0, %c0_i32, %c0_i32_1 : i32, i32, i32
  }
  func.func @transform_3(%arg0: i32, %arg1: memref<96xi32, #tpu.memory_space<smem>>, %arg2: memref<1xi32, #tpu.memory_space<smem>>) -> (i32, i32, i32) {
    %get3A = arith.index_cast %arg0 : i32 to index
    %get3A_0 = memref.load %arg1[%get3A] : memref<96xi32, #tpu.memory_space<smem>>
    %c0_i32 = arith.constant 0 : i32
    %c0_i32_1 = arith.constant 0 : i32
    %c0_i32_2 = arith.constant 0 : i32
    return %get3A_0, %c0_i32, %c0_i32_1 : i32, i32, i32
  }
  func.func @transform_4(%arg0: i32, %arg1: memref<96xi32, #tpu.memory_space<smem>>, %arg2: memref<1xi32, #tpu.memory_space<smem>>) -> (i32, i32) {
    %get3A = arith.constant 0 : index
    %get3A_0 = memref.load %arg2[%get3A] : memref<1xi32, #tpu.memory_space<smem>>
    %sub3A = arith.constant 1 : i32
    %sub3A_1 = arith.subi %get3A_0, %sub3A : i32
    %min3A = arith.minsi %arg0, %sub3A_1 : i32
    %c0_i32 = arith.constant 0 : i32
    %c0_i32_2 = arith.constant 0 : i32
    return %min3A, %c0_i32 : i32, i32
  }
}

</mosaic_0001>

<sc_bundles>
// kernel: kernel.6.cloned.1.call-start
scs
__scs_entry_jumppad:
0x0: {  	(pc) =	sbr.rel $0x88, $3  }
0x1: {  	(tag) =	ssettag $0x0;
	lr =	simm.s32 $0x1  }
0x2: {  	[smem:$0x3F9D] =	sst lr;
	_ =	strace $0xD0000000  }
0x3: {  	_ = 	snop  }
0x4: {  	_ = 	snop  }
0x5: {  	_ = 	snop  }
0x6: {  	_ = 	snop  }
0x7: {  	_ = 	snop  }
__scs_overlays_trampoline_lowered:
0x8: {  	[smem:$0x3FAC] =	sst s0  }
0x9: {  	[smem:$0x3FAD] =	sst s1  }
0xa: {  	[smem:$0x3FAE] =	sst s2  }
0xb: {  	[smem:$0x3FAF] =	sst s3  }
0xc: {  	[smem:$0x3FB0] =	sst s4  }
0xd: {  	[smem:$0x3FB1] =	sst s5  }
0xe: {  	[smem:$0x3FB2] =	sst s6  }
0xf: {  	[smem:$0x3FB3] =	sst s7  }
0x10: {  	[smem:$0x3FB4] =	sst s8  }
0x11: {  	[smem:$0x3FB5] =	sst s9;
	s0 =	simm.s32 @!p0 $0x0  }
0x12: {  	s1 =	sld [smem:$0x3F9B];
	s0 =	simm.s32 @p0 $0x1  }
0x13: {  	[smem:$0x3FB6] =	sst s0;
	s0 =	simm.s32 @!p1 $0x0  }
0x14: {  	s2 =	sld [smem:$0x3F9A];
	s0 =	simm.s32 @p1 $0x1  }
0x15: {  	[smem:$0x3FB7] =	sst s0;
	s0 =	simm.s32 @!p2 $0x0  }
0x16: {  	s3 =	sld [smem:$0x3FDB];
	s0 =	simm.s32 @p2 $0x1  }
0x17: {  	s4 =	simm.s32 $0x1BF5;
	[smem:$0x3FB9] =	sst s0  }
0x18: {  	s0 =	sld [smem:$0x3F9C];
	_ =	swait.ge [sflag:s4], $0x0  }
0x19: {  	s7 =	sld [smem:$0x3F9D]  }
0x1a: {  	s8 =	sadd.s32 $0xFFFFE003, lr  }
0x1b: {  	s9 =	sadd.s32 $0xFFFFFEF7, lr;
	s5 =	simm.s32 $0xFFFFFFFF;
	p2 =	slt.u32 s8, $0xFFFFF086  }
0x1c: {  	p1 =	slt.u32 s9, $0xF7A;
	s5 =	simm.s32 @!p2 $0x0  }
0x1d: {  	s5 =	simm.s32 @p1 $0x1;
	p0 =	seq.s32 s7, s2  }
0x1e: {  	s7 =	smul.u32 @!p0 $0xF7A, s2;
	p2 =	seq.s32 @!p0 s5, $0x0  }
0x1f: {  	s9 =	smul.u32 $0xF7A, s1;
	s8 =	simm.s32 @!p0 $0x1BF5;
	p2 =	por !p2, p0  }
0x20: {  	[sflag:s8] =	ssyncset.s32 @!p0 $0xFFFFF086;
	s6 =	sadd.s32 @!p0 s3, s7;
	s7 =	simm.s32 @!p0 $0x108  }
0x21: {  	s3 =	sadd.s32 s3, s9;
	s6 =	sadd.s32 @!p0 $0x88, s6;
	s7 =	simm.s32 @p2 $0x1082  }
0x22: {  	[simem:s7], [sflag:s8] =	dma.local @!p0 [hbm:s6], $0xF7A  }
0x23: {  	s9 =	sor.u32 $0xD0000000, s2;
	s6 =	simm.s32 $0x108;
	_ =	swait.ge @!p0 [sflag:s8], $0x0  }
0x24: {  	s3 =	sadd.s32 $0x88, s3;
	s6 =	simm.s32 @!p1 $0x1082;
	[sflag:s4] =	ssyncset.s32 $0xFFFFF086  }
0x25: {  	[simem:s6], [sflag:s4] =	dma.local [hbm:s3], $0xF7A  }
0x26: {  	[smem:$0x3F9D] =	sst s1;
	(tag) =	ssettag s2;
	_ =	strace s9  }
0x27: {  	s1 =	sld [smem:$0x3FAD]  }
0x28: {  	s2 =	sld [smem:$0x3FAE]  }
0x29: {  	s4 =	sld [smem:$0x3FB0]  }
0x2a: {  	p0 =	seq.s32 s5, $0x0;
	s5 =	sld [smem:$0x3FB1]  }
0x2b: {  	s6 =	sld [smem:$0x3FB2]  }
0x2c: {  	s7 =	sld [smem:$0x3FB3]  }
0x2d: {  	s3 =	simm.s32 $0x108;
	s8 =	sld [smem:$0x3FB4]  }
0x2e: {  	s3 =	simm.s32 @!p0 $0x1082;
	s9 =	sld [smem:$0x3FB5]  }
0x2f: {  	lr =	sadd.s32 s0, s3;
	s0 =	sld [smem:$0x3FAC]  }
0x30: {  	s3 =	sld [smem:$0x3FAF]  }
0x31: {  	[smem:$0x3FB8] =	sst s10  }
0x32: {  	s10 =	sld [smem:$0x3FB6];
	_ =	sdelay $0x3  }
0x33: {  	p0 =	seq.s32 s10, $0x1;
	s10 =	sld [smem:$0x3FB8];
	_ =	sdelay $0x3  }
0x34: {  	[smem:$0x3FB8] =	sst s10  }
0x35: {  	s10 =	sld [smem:$0x3FB7];
	_ =	sdelay $0x3  }
0x36: {  	p1 =	seq.s32 s10, $0x1;
	s10 =	sld [smem:$0x3FB8];
	_ =	sdelay $0x3  }
0x37: {  	[smem:$0x3FB8] =	sst s10  }
0x38: {  	s10 =	sld [smem:$0x3FB9]  }
0x39: {  	_ = 	snop;
	(pc) =	sbr.ind lr, $3  }
0x3a: {  	_ = 	snop  }
0x3b: {  	_ = 	snop  }
0x3c: {  	p2 =	seq.s32 s10, $0x1;
	s10 =	sld [smem:$0x3FB8]  }
0x3d: {  	_ =	shalt  }
0x3e: {  	_ =	shalt  }
0x3f: {  	_ =	shalt  }
0x40: {  	_ =	shalt  }
0x41: {  	_ =	shalt  }
0x42: {  	_ =	shalt  }
0x43: {  	_ =	shalt  }
0x44: {  	_ =	shalt  }
0x45: {  	_ =	shalt  }
0x46: {  	_ =	shalt  }
0x47: {  	_ =	shalt  }
0x48: {  	_ =	shalt  }
0x49: {  	_ =	shalt  }
0x4a: {  	_ =	shalt  }
0x4b: {  	_ =	shalt  }
0x4c: {  	_ =	shalt  }
0x4d: {  	_ =	shalt  }
0x4e: {  	_ =	shalt  }
0x4f: {  	_ =	shalt  }
0x50: {  	_ =	shalt  }
0x51: {  	_ =	shalt  }
0x52: {  	_ =	shalt  }
0x53: {  	_ =	shalt  }
0x54: {  	_ =	shalt  }
0x55: {  	_ =	shalt  }
0x56: {  	_ =	shalt  }
0x57: {  	_ =	shalt  }
0x58: {  	_ =	shalt  }
0x59: {  	_ =	shalt  }
0x5a: {  	_ =	shalt  }
0x5b: {  	_ =	shalt  }
0x5c: {  	_ =	shalt  }
0x5d: {  	_ =	shalt  }
0x5e: {  	_ =	shalt  }
0x5f: {  	_ =	shalt  }
0x60: {  	_ =	shalt  }
0x61: {  	_ =	shalt  }
0x62: {  	_ =	shalt  }
0x63: {  	_ =	shalt  }
0x64: {  	_ =	shalt  }
0x65: {  	_ =	shalt  }
0x66: {  	_ =	shalt  }
0x67: {  	_ =	shalt  }
0x68: {  	_ =	shalt  }
0x69: {  	_ =	shalt  }
0x6a: {  	_ =	shalt  }
0x6b: {  	_ =	shalt  }
0x6c: {  	_ =	shalt  }
0x6d: {  	_ =	shalt  }
0x6e: {  	_ =	shalt  }
0x6f: {  	_ =	shalt  }
0x70: {  	_ =	shalt  }
0x71: {  	_ =	shalt  }
0x72: {  	_ =	shalt  }
0x73: {  	_ =	shalt  }
0x74: {  	_ =	shalt  }
0x75: {  	_ =	shalt  }
0x76: {  	_ =	shalt  }
0x77: {  	_ =	shalt  }
0x78: {  	_ =	shalt  }
0x79: {  	_ =	shalt  }
0x7a: {  	_ =	shalt  }
0x7b: {  	_ =	shalt  }
0x7c: {  	_ =	shalt  }
0x7d: {  	_ =	shalt  }
0x7e: {  	_ =	shalt  }
0x7f: {  	_ =	shalt  }
0x80: {  	_ =	shalt  }
0x81: {  	_ =	shalt  }
0x82: {  	_ =	shalt  }
0x83: {  	_ =	shalt  }
0x84: {  	_ =	shalt  }
0x85: {  	_ =	shalt  }
0x86: {  	_ =	shalt  }
0x87: {  	_ =	shalt  }
.Lfunc_end0:
.L_simem_size_0:
called_computation_lowered:
.L_overlay_start_0:
0x88: {  	s2 =	sld [smem:$0x3FD9]  }
0x89: {  	s3 =	sld [smem:$0x3FFE];
	_ =	sdelay $0x1  }
0x8a: {  	s1 =	srdreg.scid  }
0x8b: {  	s0 =	sand.u32 $0x1, s1  }
0x8c: {  	s17 =	sshll.u32 s0, $0xA;
	s2 =	sadd.s32 s3, s2  }
0x8d: {  	s2 =	sadd.s32 s2, s17  }
0x8e: {  	[smem:$0x3FC4] =	sst s2  }
0x8f: {  	_ = 	snop  }
0x90: {  	s2 =	sld [smem:$0x3FD0];
	(tm) =	ssettm $0x1  }
0x91: {  	s18 =	sld [smem:$0x3FFB];
	_ =	sdelay $0x3  }
0x92: {  	_ =	strace s18  }
0x93: {  	s3 =	sld [smem:$0x3FFC];
	_ =	sdelay $0x3  }
0x94: {  	_ =	strace s3  }
0x95: {  	s3 =	sld [smem:$0x3FFD];
	_ =	sdelay $0x3  }
0x96: {  	_ =	strace s3  }
0x97: {  	_ =	strace $0x8FFFFFFF  }
0x98: {  	s19 =	sld [smem:$0x3FDB];
	_ =	sdelay $0x1  }
0x99: {  	s4 =	simm.s32 $_scs_section_size  }
0x9a: {  	s5 =	simm.s32 $_size__tile_overlayer_lowered;
	s6 =	simm.s32 $_tile_overlayer_lowered  }
0x9b: {  	s22 =	simm.s32 $0x1BFF;
	s21 =	sshll.u32 s6, $0x1;
	s3 =	sadd.s32 s4, s19  }
0x9c: {  	s7 =	simm.s32 $0x0;
	s20 =	sshll.u32 s5, $0x1;
	s5 =	sadd.s32 s21, s3  }
0x9d: {  	[timem:s7], [sflag:s22] =	dma.local [hbm:s5], s20  }
0x9e: {  	_ =	swait.ge [sflag:s22], s20  }
0x9f: {  	s4 =	ssub.s32 $0x0, s20;
	[sflag:s22] =	ssyncset.done $0x0  }
0xa0: {  	[sflag:s22] =	ssyncadd.s32 s4;
	_ =	sdelay $0x1  }
0xa1: {  	s23 =	simm.s32 $0x1B8B  }
0xa2: {  	_ =	swait.ge [sflag:s23], $0x1  }
0xa3: {  	[sflag:s23] =	ssyncset.done $0x0  }
0xa4: {  	s25 =	simm.s32 $0x1B8E;
	s24 =	sld [smem:$0x3FFE];
	[sflag:s23] =	ssyncadd.s32 $0xFFFFFFFF  }
0xa5: {  	s26 =	simm.s32 $execute0_lowered;
	[smem:$0x3FD2] =	sst s25  }
0xa6: {  	s5 =	sshll.u32 s26, $0x1;
	_ =	strace $0x80000046;
	[dreg:$0x1] =	wrdreg $0xFFFFFFFF  }
0xa7: {  	s28 =	simm.s32 $_size_execute0_lowered;
	s3 =	sadd.s32 s3, s5;
	[dreg:$0x0] =	wrdreg $0x0  }
0xa8: {  	s5 =	sshll.u32 s28, $0x1;
	[dreg:$0x2] =	wrdreg s3  }
0xa9: {  	[dreg:$0x3] =	wrdreg s5  }
0xaa: {  	[dreg:$0x4] =	wrdreg $0xC0  }
0xab: {  	_ =	task [dreg:s7], $0x5FFFF  }
0xac: {  	[dreg:$0x1] =	wrdreg $0xFFFFFFFF  }
0xad: {  	[dreg:$0x0] =	wrdreg $0x60  }
0xae: {  	[dreg:$0x2] =	wrdreg s24  }
0xaf: {  	[dreg:$0x3] =	wrdreg s2  }
0xb0: {  	[dreg:$0x4] =	wrdreg $0x9  }
0xb1: {  	_ =	task.clear_ibuf [dreg:s7], $0x5FFFF;
	_ =	strace $0x90000046  }
0xb2: {  	s29 =	simm.s32 $0x9;
	_ =	strace $0x80000048  }
0xb3: {  	_ =	swait.ge [sflag:s29], $0x1  }
0xb4: {  	[sflag:s29] =	ssyncadd.s32 $0xFFFFFFFF  }
0xb5: {  	_ =	strace $0x90000048  }
0xb6: {  	_ =	sfence  }
0xb7: {  	s30 =	sld [smem:$0x0];
	_ =	sdelay $0x2  }
0xb8: {  	s31 =	sshll.u32 s1, $0xD;
	s1 =	sshrl.u32 s1, $0x2  }
0xb9: {  	s3 =	sand.u32 $0x4000, s31;
	s1 =	sadd.s32 s1, s30  }
0xba: {  	s0 =	sor.u32 s3, s0;
	s1 =	sshll.u32 s1, $0x11  }
0xbb: {  	s0 =	sor.u32 s1, s0  }
0xbc: {  	s0 =	sadd.s32 $0x8F2B, s0  }
0xbd: {  	[sflag:s0] =	ssyncadd.remote.s32 $0x1  }
0xbe: {  	_ =	sfence.sel $0xFFFF  }
0xbf: {  	[dreg:$0x0] =	wrdreg $0xFFFFFFFF;
	(pc) =	sbr.abs _section_cstart, $3  }
0xc0: {  	[dreg:$0x1] =	wrdreg $0xFFFFFFFF  }
0xc1: {  	_ =	task.clear_ibuf [dreg:s7], $0x2FFFF;
	_ =	strace $0x9FFFFFFF  }
0xc2: {  	(tm) =	ssettm $0x7FFFFFFF  }
0xc3: {  	_ =	shalt  }
tec
execute0_lowered:
.L_overlay_start_1:
0x0: {  	(tag) =	ssettag $0x1  }
0x1: {  	s0 =	srdreg.scid;
	s1 =	rddreg [dreg:$0x0]  }
0x2: {  	s2 =	stileid.u32;
	s4 =	rddreg [dreg:$0x1];
	s10 =	simm.s32 $0x880  }
0x3: {  	s11 =	simm.s32 $0x1080;
	s12 =	simm.s32 $0x1880;
	s13 =	simm.s32 $0x2080  }
0x4: {  	s14 =	simm.s32 $0x2880;
	s15 =	simm.s32 $0x3080;
	s16 =	simm.s32 $0x3880  }
0x5: {  	s17 =	simm.s32 $0x4080;
	s18 =	simm.s32 $0x4880;
	s19 =	simm.s32 $0x5080  }
0x6: {  	s20 =	simm.s32 $0x5880;
	s21 =	simm.s32 $0x6080;
	s22 =	simm.s32 $0x6880  }
0x7: {  	s23 =	simm.s32 $0x7080;
	s28 =	simm.s32 $0x9080;
	s29 =	simm.s32 $0x9880  }
0x8: {  	s30 =	simm.s32 $0xA080;
	s31 =	simm.s32 $0xA880;
	s0 =	sand.u32 $0x1, s0  }
0x9: {  	s3 =	sshll.u32 s2, $0x4;
	s2 =	simm.s32 $0x0;
	s5 =	sshll.u32 s0, $0x3  }
0xa: {  	[smem:$0x7FF] =	sst s2;
	s0 =	ssub.s32 $0x2, s0;
	s3 =	sor.u32 s5, s3  }
0xb: {  	_ =	strace $0x80000047;
	s24 =	sshrl.u32 s0, $0x1;
	s5 =	smul.u32 $0x300, s3  }
0xc: {  	s6 =	sadd.s32 s3, s1;
	s3 =	sadd.s32 $0xE00, s1;
	s0 =	ssub.s32 s0, s24  }
0xd: {  	s24 =	simm.s32 $0x7880;
	s8 =	sadd.s32 $0xC00, s6;
	s25 =	sadd.s32 $0xA00, s6  }
0xe: {  	s6 =	smax.u32 s0, $0x1;
	s0 =	simm.s32 $0x1;
	[dreg:$0x3] =	wrdreg s8  }
0xf: {  	s7 =	sadd.s32 s5, s1;
	s4 =	sadd.s32 s4, s5;
	[dreg:$0x5] =	wrdreg s25  }
0x10: {  	v2 =	vlaneseq.u32;
	s5 =	sadd.s32 $0x1000, s1;
	s25 =	simm.s32 $0x8080;
	[dreg:$0x4] =	wrdreg s4  }
0x11: {  	vm0 =	vmmov $0xffff;
	v1 =	vshrl.u32 v2, $0x3;
	s26 =	sadd.s32 $0x120E00, s7;
	s4 =	sadd.s32 $0xF00, s1;
	s7 =	simm.s32 $0x2  }
0x12: {  	v0 =	vand.u32 $0x7, v2;
	v2 =	vor.u32 $0x8, v2;
	v1 =	vmul.u32 $0x8, v1;
	s1 =	simm.s32 $0x80;
	[dreg:$0x6] =	wrdreg s26;
	s26 =	simm.s32 $0x8880  }
.LBB2_1:
0x13: {  	s9 =	rddreg [dreg:$0x3]  }
0x14: {  	[tilespmem:s2], [sflag:$0x2] =	stream.linear.gather [hbm4b:s9+s2], $0x40, $0x38;
	[tilespmem:$0xC080] =	vst v63  }
0x15: {  	_ =	swait.ge [sflag:s7], $0x40  }
0x16: {  	[sflag:s7] =	ssyncset.done $0x0  }
0x17: {  	[sflag:s7] =	ssyncadd.s32 $0xFFFFFFC0  }
0x18: {  	v3 =	vld [tilespmem:$0x0];
	_ =	sdelay $0x4  }
0x19: {  	v4 =	vshrl.u32 v3, $0x3  }
0x1a: {  	v4 =	vmul.u32 $0x30, v4  }
0x1b: {  	v3 =	vand.u32 $0x7, v3  }
0x1c: {  	v3 =	vor.u32 v3, v4  }
0x1d: {  	v4 =	vperm.xlane v3, v0;
	_ =	sdelay $0x1  }
0x1e: {  	v4 =	vadd.s32 v1, v4;
	_ =	sdelay $0x3  }
0x1f: {  	v3 =	vperm.xlane v3, v2  }
0x20: {  	[tilespmem:s1], [sflag:$0x1] =	stream.indirect_vreg.gather [hbm4b:s3+s2], $0x80, v4, vm0, $0xb8;
	[tilespmem:$0xC080] =	vst v63  }
0x21: {  	v3 =	vadd.s32 v1, v3  }
0x22: {  	[tilespmem:s10], [sflag:$0x1] =	stream.indirect_vreg.gather [hbm4b:s4+s2], $0x80, v4, vm0, $0xb8;
	[tilespmem:$0xC080] =	vst v63  }
0x23: {  	_ = 	snop  }
0x24: {  	[tilespmem:s11], [sflag:$0x1] =	stream.indirect_vreg.gather [hbm4b:s5+s2], $0x80, v4, vm0, $0xb8;
	[tilespmem:$0xC080] =	vst v63  }
0x25: {  	_ = 	snop  }
0x26: {  	[tilespmem:s12], [sflag:$0x1] =	stream.indirect_vreg.gather [hbm4b:s3+s2], $0x80, v3, vm0, $0xb8;
	[tilespmem:$0xC080] =	vst v63  }
0x27: {  	_ = 	snop  }
0x28: {  	[tilespmem:s13], [sflag:$0x1] =	stream.indirect_vreg.gather [hbm4b:s4+s2], $0x80, v3, vm0, $0xb8;
	[tilespmem:$0xC080] =	vst v63  }
0x29: {  	_ = 	snop  }
0x2a: {  	[tilespmem:s14], [sflag:$0x1] =	stream.indirect_vreg.gather [hbm4b:s5+s2], $0x80, v3, vm0, $0xb8;
	[tilespmem:$0xC080] =	vst v63  }
0x2b: {  	v3 =	vld [tilespmem:$0x10];
	_ =	sdelay $0x4  }
0x2c: {  	v57 =	vshrl.u32 v3, $0x3  }
0x2d: {  	v4 =	vmul.u32 $0x30, v57  }
0x2e: {  	v3 =	vand.u32 $0x7, v3  }
0x2f: {  	v3 =	vor.u32 v3, v4  }
0x30: {  	v4 =	vperm.xlane v3, v0;
	_ =	sdelay $0x1  }
0x31: {  	v4 =	vadd.s32 v1, v4;
	_ =	sdelay $0x3  }
0x32: {  	v3 =	vperm.xlane v3, v2  }
0x33: {  	[tilespmem:s15], [sflag:$0x1] =	stream.indirect_vreg.gather [hbm4b:s3+s2], $0x80, v4, vm0, $0xb8;
	[tilespmem:$0xC080] =	vst v63  }
0x34: {  	v3 =	vadd.s32 v1, v3  }
0x35: {  	[tilespmem:s16], [sflag:$0x1] =	stream.indirect_vreg.gather [hbm4b:s4+s2], $0x80, v4, vm0, $0xb8;
	[tilespmem:$0xC080] =	vst v63  }
0x36: {  	_ = 	snop  }
0x37: {  	[tilespmem:s17], [sflag:$0x1] =	stream.indirect_vreg.gather [hbm4b:s5+s2], $0x80, v4, vm0, $0xb8;
	[tilespmem:$0xC080] =	vst v63  }
0x38: {  	_ = 	snop  }
0x39: {  	[tilespmem:s18], [sflag:$0x1] =	stream.indirect_vreg.gather [hbm4b:s3+s2], $0x80, v3, vm0, $0xb8;
	[tilespmem:$0xC080] =	vst v63  }
0x3a: {  	_ = 	snop  }
0x3b: {  	[tilespmem:s19], [sflag:$0x1] =	stream.indirect_vreg.gather [hbm4b:s4+s2], $0x80, v3, vm0, $0xb8;
	[tilespmem:$0xC080] =	vst v63  }
0x3c: {  	_ = 	snop  }
0x3d: {  	[tilespmem:s20], [sflag:$0x1] =	stream.indirect_vreg.gather [hbm4b:s5+s2], $0x80, v3, vm0, $0xb8;
	[tilespmem:$0xC080] =	vst v63  }
0x3e: {  	v3 =	vld [tilespmem:$0x20];
	_ =	sdelay $0x4  }
0x3f: {  	v58 =	vshrl.u32 v3, $0x3  }
0x40: {  	v4 =	vmul.u32 $0x30, v58  }
0x41: {  	v3 =	vand.u32 $0x7, v3  }
0x42: {  	v3 =	vor.u32 v3, v4  }
0x43: {  	v4 =	vperm.xlane v3, v0;
	_ =	sdelay $0x1  }
0x44: {  	v4 =	vadd.s32 v1, v4;
	_ =	sdelay $0x3  }
0x45: {  	v3 =	vperm.xlane v3, v2  }
0x46: {  	[tilespmem:s21], [sflag:$0x1] =	stream.indirect_vreg.gather [hbm4b:s3+s2], $0x80, v4, vm0, $0xb8;
	[tilespmem:$0xC080] =	vst v63  }
0x47: {  	v3 =	vadd.s32 v1, v3  }
0x48: {  	[tilespmem:s22], [sflag:$0x1] =	stream.indirect_vreg.gather [hbm4b:s4+s2], $0x80, v4, vm0, $0xb8;
	[tilespmem:$0xC080] =	vst v63  }
0x49: {  	_ = 	snop  }
0x4a: {  	[tilespmem:s23], [sflag:$0x1] =	stream.indirect_vreg.gather [hbm4b:s5+s2], $0x80, v4, vm0, $0xb8;
	[tilespmem:$0xC080] =	vst v63  }
0x4b: {  	_ = 	snop  }
0x4c: {  	[tilespmem:s24], [sflag:$0x1] =	stream.indirect_vreg.gather [hbm4b:s3+s2], $0x80, v3, vm0, $0xb8;
	[tilespmem:$0xC080] =	vst v63  }
0x4d: {  	_ = 	snop  }
0x4e: {  	[tilespmem:s25], [sflag:$0x1] =	stream.indirect_vreg.gather [hbm4b:s4+s2], $0x80, v3, vm0, $0xb8;
	[tilespmem:$0xC080] =	vst v63  }
0x4f: {  	_ = 	snop  }
0x50: {  	[tilespmem:s26], [sflag:$0x1] =	stream.indirect_vreg.gather [hbm4b:s5+s2], $0x80, v3, vm0, $0xb8;
	[tilespmem:$0xC080] =	vst v63  }
0x51: {  	v3 =	vld [tilespmem:$0x30];
	_ =	sdelay $0x4  }
0x52: {  	v59 =	vshrl.u32 v3, $0x3  }
0x53: {  	v4 =	vmul.u32 $0x30, v59  }
0x54: {  	v3 =	vand.u32 $0x7, v3  }
0x55: {  	v3 =	vor.u32 v3, v4  }
0x56: {  	v4 =	vperm.xlane v3, v0;
	_ =	sdelay $0x1  }
0x57: {  	v4 =	vadd.s32 v1, v4;
	_ =	sdelay $0x3  }
0x58: {  	v3 =	vperm.xlane v3, v2  }
0x59: {  	[tilespmem:s28], [sflag:$0x1] =	stream.indirect_vreg.gather [hbm4b:s3+s2], $0x80, v4, vm0, $0xb8;
	[tilespmem:$0xC080] =	vst v63  }
0x5a: {  	v3 =	vadd.s32 v1, v3  }
0x5b: {  	[tilespmem:s29], [sflag:$0x1] =	stream.indirect_vreg.gather [hbm4b:s4+s2], $0x80, v4, vm0, $0xb8;
	[tilespmem:$0xC080] =	vst v63  }
0x5c: {  	_ = 	snop  }
0x5d: {  	[tilespmem:s30], [sflag:$0x1] =	stream.indirect_vreg.gather [hbm4b:s5+s2], $0x80, v4, vm0, $0xb8;
	[tilespmem:$0xC080] =	vst v63  }
0x5e: {  	_ = 	snop  }
0x5f: {  	[tilespmem:s31], [sflag:$0x1] =	stream.indirect_vreg.gather [hbm4b:s3+s2], $0x80, v3, vm0, $0xb8;
	[tilespmem:$0xC080] =	vst v63  }
0x60: {  	s8 =	simm.s32 $0xB080  }
0x61: {  	[tilespmem:s8], [sflag:$0x1] =	stream.indirect_vreg.gather [hbm4b:s4+s2], $0x80, v3, vm0, $0xb8;
	[tilespmem:$0xC080] =	vst v63  }
0x62: {  	s8 =	simm.s32 $0xB880  }
0x63: {  	[tilespmem:s8], [sflag:$0x1] =	stream.indirect_vreg.gather [hbm4b:s5+s2], $0x80, v3, vm0, $0xb8;
	[tilespmem:$0xC080] =	vst v63  }
0x64: {  	_ =	swait.ge [sflag:s0], $0xC000  }
0x65: {  	[sflag:s0] =	ssyncset.done $0x0  }
0x66: {  	s9 =	rddreg [dreg:$0x4];
	[sflag:s0] =	ssyncadd.s32 $0xFFFF4000  }
0x67: {  	[hbm4b:s9+s2] =	stream.linear.scatter [tilespmem:s1], [sflag:$0x2], $0xC000, $0x38;
	[tilespmem:$0xC080] =	vst v63  }
0x68: {  	_ =	swait.ge [sflag:s7], $0xC000  }
0x69: {  	[sflag:s7] =	ssyncset.done $0x0  }
0x6a: {  	s9 =	rddreg [dreg:$0x5];
	[sflag:s7] =	ssyncadd.s32 $0xFFFF4000  }
0x6b: {  	[tilespmem:s2], [sflag:$0x2] =	stream.linear.gather [hbm4b:s9+s2], $0x40, $0x38;
	[tilespmem:$0xC080] =	vst v63  }
0x6c: {  	_ =	swait.ge [sflag:s7], $0x40  }
0x6d: {  	[sflag:s7] =	ssyncset.done $0x0  }
0x6e: {  	[sflag:s7] =	ssyncadd.s32 $0xFFFFFFC0  }
0x6f: {  	v3 =	vld [tilespmem:$0x0];
	_ =	sdelay $0x4  }
0x70: {  	v60 =	vshrl.u32 v3, $0x3  }
0x71: {  	v4 =	vmul.u32 $0x30, v60  }
0x72: {  	v3 =	vand.u32 $0x7, v3  }
0x73: {  	v3 =	vor.u32 v3, v4  }
0x74: {  	v4 =	vperm.xlane v3, v0;
	_ =	sdelay $0x1  }
0x75: {  	v4 =	vadd.s32 v1, v4;
	_ =	sdelay $0x3  }
0x76: {  	v3 =	vperm.xlane v3, v2  }
0x77: {  	[tilespmem:s1], [sflag:$0x1] =	stream.indirect_vreg.gather [hbm4b:s3+s2], $0x80, v4, vm0, $0xb8;
	[tilespmem:$0xC080] =	vst v63  }
0x78: {  	v3 =	vadd.s32 v1, v3  }
0x79: {  	[tilespmem:s10], [sflag:$0x1] =	stream.indirect_vreg.gather [hbm4b:s4+s2], $0x80, v4, vm0, $0xb8;
	[tilespmem:$0xC080] =	vst v63  }
0x7a: {  	_ = 	snop  }
0x7b: {  	[tilespmem:s11], [sflag:$0x1] =	stream.indirect_vreg.gather [hbm4b:s5+s2], $0x80, v4, vm0, $0xb8;
	[tilespmem:$0xC080] =	vst v63  }
0x7c: {  	_ = 	snop  }
0x7d: {  	[tilespmem:s12], [sflag:$0x1] =	stream.indirect_vreg.gather [hbm4b:s3+s2], $0x80, v3, vm0, $0xb8;
	[tilespmem:$0xC080] =	vst v63  }
0x7e: {  	_ = 	snop  }
0x7f: {  	[tilespmem:s13], [sflag:$0x1] =	stream.indirect_vreg.gather [hbm4b:s4+s2], $0x80, v3, vm0, $0xb8;
	[tilespmem:$0xC080] =	vst v63  }
0x80: {  	_ = 	snop  }
0x81: {  	[tilespmem:s14], [sflag:$0x1] =	stream.indirect_vreg.gather [hbm4b:s5+s2], $0x80, v3, vm0, $0xb8;
	[tilespmem:$0xC080] =	vst v63  }
0x82: {  	v3 =	vld [tilespmem:$0x10];
	_ =	sdelay $0x4  }
0x83: {  	v61 =	vshrl.u32 v3, $0x3  }
0x84: {  	v4 =	vmul.u32 $0x30, v61  }
0x85: {  	v3 =	vand.u32 $0x7, v3  }
0x86: {  	v3 =	vor.u32 v3, v4  }
0x87: {  	v4 =	vperm.xlane v3, v0;
	_ =	sdelay $0x1  }
0x88: {  	v4 =	vadd.s32 v1, v4;
	_ =	sdelay $0x3  }
0x89: {  	v3 =	vperm.xlane v3, v2  }
0x8a: {  	[tilespmem:s15], [sflag:$0x1] =	stream.indirect_vreg.gather [hbm4b:s3+s2], $0x80, v4, vm0, $0xb8;
	[tilespmem:$0xC080] =	vst v63  }
0x8b: {  	v3 =	vadd.s32 v1, v3  }
0x8c: {  	[tilespmem:s16], [sflag:$0x1] =	stream.indirect_vreg.gather [hbm4b:s4+s2], $0x80, v4, vm0, $0xb8;
	[tilespmem:$0xC080] =	vst v63  }
0x8d: {  	_ = 	snop  }
0x8e: {  	[tilespmem:s17], [sflag:$0x1] =	stream.indirect_vreg.gather [hbm4b:s5+s2], $0x80, v4, vm0, $0xb8;
	[tilespmem:$0xC080] =	vst v63  }
0x8f: {  	_ = 	snop  }
0x90: {  	[tilespmem:s18], [sflag:$0x1] =	stream.indirect_vreg.gather [hbm4b:s3+s2], $0x80, v3, vm0, $0xb8;
	[tilespmem:$0xC080] =	vst v63  }
0x91: {  	_ = 	snop  }
0x92: {  	[tilespmem:s19], [sflag:$0x1] =	stream.indirect_vreg.gather [hbm4b:s4+s2], $0x80, v3, vm0, $0xb8;
	[tilespmem:$0xC080] =	vst v63  }
0x93: {  	_ = 	snop  }
0x94: {  	[tilespmem:s20], [sflag:$0x1] =	stream.indirect_vreg.gather [hbm4b:s5+s2], $0x80, v3, vm0, $0xb8;
	[tilespmem:$0xC080] =	vst v63  }
0x95: {  	v3 =	vld [tilespmem:$0x20];
	_ =	sdelay $0x4  }
0x96: {  	v62 =	vshrl.u32 v3, $0x3  }
0x97: {  	v4 =	vmul.u32 $0x30, v62  }
0x98: {  	v3 =	vand.u32 $0x7, v3  }
0x99: {  	v3 =	vor.u32 v3, v4  }
0x9a: {  	v4 =	vperm.xlane v3, v0;
	_ =	sdelay $0x1  }
0x9b: {  	v4 =	vadd.s32 v1, v4;
	_ =	sdelay $0x3  }
0x9c: {  	v3 =	vperm.xlane v3, v2  }
0x9d: {  	[tilespmem:s21], [sflag:$0x1] =	stream.indirect_vreg.gather [hbm4b:s3+s2], $0x80, v4, vm0, $0xb8;
	[tilespmem:$0xC080] =	vst v63  }
0x9e: {  	v3 =	vadd.s32 v1, v3  }
0x9f: {  	[tilespmem:s22], [sflag:$0x1] =	stream.indirect_vreg.gather [hbm4b:s4+s2], $0x80, v4, vm0, $0xb8;
	[tilespmem:$0xC080] =	vst v63  }
0xa0: {  	_ = 	snop  }
0xa1: {  	[tilespmem:s23], [sflag:$0x1] =	stream.indirect_vreg.gather [hbm4b:s5+s2], $0x80, v4, vm0, $0xb8;
	[tilespmem:$0xC080] =	vst v63  }
0xa2: {  	_ = 	snop  }
0xa3: {  	[tilespmem:s24], [sflag:$0x1] =	stream.indirect_vreg.gather [hbm4b:s3+s2], $0x80, v3, vm0, $0xb8;
	[tilespmem:$0xC080] =	vst v63  }
0xa4: {  	_ = 	snop  }
0xa5: {  	[tilespmem:s25], [sflag:$0x1] =	stream.indirect_vreg.gather [hbm4b:s4+s2], $0x80, v3, vm0, $0xb8;
	[tilespmem:$0xC080] =	vst v63  }
0xa6: {  	_ = 	snop  }
0xa7: {  	[tilespmem:s26], [sflag:$0x1] =	stream.indirect_vreg.gather [hbm4b:s5+s2], $0x80, v3, vm0, $0xb8;
	[tilespmem:$0xC080] =	vst v63  }
0xa8: {  	v3 =	vld [tilespmem:$0x30];
	_ =	sdelay $0x4  }
0xa9: {  	v63 =	vshrl.u32 v3, $0x3  }
0xaa: {  	v4 =	vmul.u32 $0x30, v63  }
0xab: {  	v3 =	vand.u32 $0x7, v3  }
0xac: {  	v3 =	vor.u32 v3, v4  }
0xad: {  	v4 =	vperm.xlane v3, v0;
	_ =	sdelay $0x1  }
0xae: {  	v4 =	vadd.s32 v1, v4;
	_ =	sdelay $0x3  }
0xaf: {  	v3 =	vperm.xlane v3, v2  }
0xb0: {  	[tilespmem:s28], [sflag:$0x1] =	stream.indirect_vreg.gather [hbm4b:s3+s2], $0x80, v4, vm0, $0xb8;
	[tilespmem:$0xC080] =	vst v63  }
0xb1: {  	v3 =	vadd.s32 v1, v3  }
0xb2: {  	[tilespmem:s29], [sflag:$0x1] =	stream.indirect_vreg.gather [hbm4b:s4+s2], $0x80, v4, vm0, $0xb8;
	[tilespmem:$0xC080] =	vst v63  }
0xb3: {  	_ = 	snop  }
0xb4: {  	[tilespmem:s30], [sflag:$0x1] =	stream.indirect_vreg.gather [hbm4b:s5+s2], $0x80, v4, vm0, $0xb8;
	[tilespmem:$0xC080] =	vst v63  }
0xb5: {  	_ = 	snop  }
0xb6: {  	[tilespmem:s31], [sflag:$0x1] =	stream.indirect_vreg.gather [hbm4b:s3+s2], $0x80, v3, vm0, $0xb8;
	[tilespmem:$0xC080] =	vst v63  }
0xb7: {  	s9 =	simm.s32 $0xB080  }
0xb8: {  	[tilespmem:s9], [sflag:$0x1] =	stream.indirect_vreg.gather [hbm4b:s4+s2], $0x80, v3, vm0, $0xb8;
	[tilespmem:$0xC080] =	vst v63  }
0xb9: {  	_ = 	snop  }
0xba: {  	[tilespmem:s8], [sflag:$0x1] =	stream.indirect_vreg.gather [hbm4b:s5+s2], $0x80, v3, vm0, $0xb8;
	[tilespmem:$0xC080] =	vst v63  }
0xbb: {  	_ =	swait.ge [sflag:s0], $0xC000  }
0xbc: {  	p0 =	sne.s32 s6, $0x1;
	[sflag:s0] =	ssyncset.done $0x0  }
.Ltmp0:
0xbd: {  	s8 =	rddreg [dreg:$0x6];
	[sflag:s0] =	ssyncadd.s32 $0xFFFF4000;
	(pc) =	sbr.rel @p0 .LBB2_1-.Ltmp0, $4  }
0xbe: {  	[hbm4b:s8+s2] =	stream.linear.scatter [tilespmem:s1], [sflag:$0x2], $0xC000, $0x38;
	[tilespmem:$0xC080] =	vst v63  }
0xbf: {  	_ =	swait.ge [sflag:s7], $0xC000  }
0xc0: {  	[sflag:s7] =	ssyncset.done $0x0  }
0xc1: {  	s6 =	sadd.s32 $0xFFFFFFFF, s6;
	[sflag:s7] =	ssyncadd.s32 $0xFFFF4000  }
0xc2: {  	_ =	sfence.sel $0x180000  }
0xc3: {  	[bflag:$0x0] =	sbarrier.arrive $0xFFFF  }
0xc4: {  	_ =	strace $0x90000047  }
0xc5: {  	s0 =	stileid.u32;
	[bflag:$0x2] =	sbarrier.arrive $0xFFFF  }
0xc6: {  	p0 =	sne.s32 s0, $0x0;
	s0 =	rddreg [dreg:$0x2]  }
0xc7: {  	s0 =	sadd.s32 @!p0 $0x100000, s0  }
0xc8: {  	[sflag:s0] =	ssyncadd.tile.s32 @!p0 $0x1;
	_ =	shalt  }
.Lfunc_end2:
_tile_overlayer_lowered:
.L_overlay_start_2:
0xc9: {  	(tag) =	ssettag $0x2  }
0xca: {  	s0 =	rddreg [dreg:$0x0];
	s2 =	stileid.u32  }
0xcb: {  	s1 =	rddreg [dreg:$0x1];
	p0 =	sne.s32 s2, $0x0  }
0xcc: {  	s3 =	rddreg [dreg:$0x2];
	[bflag:$0x3] =	sbarrier.arrive $0xFFFF;
	s2 =	simm.s32 @!p0 $0x1C02  }
0xcd: {  	[timem:s3], [sflag:s2] =	dma.local @!p0 [hbm:s0], s1  }
0xce: {  	s0 =	simm.s32 @!p0 $0x2  }
0xcf: {  	_ =	swait.ge @!p0 [sflag:s0], s1  }
0xd0: {  	s1 =	ssub.s32 @!p0 $0x0, s1;
	[sflag:s0] =	ssyncset.done @!p0 $0x0  }
0xd1: {  	[sflag:s0] =	ssyncadd.s32 @!p0 s1  }
0xd2: {  	[bflag:$0x3] =	sbarrier.arrive $0xFFFF  }
0xd3: {  	_ =	shalt  }

</sc_bundles>
